<compile_context>
chip_gen: v7x
topology: tpu7x:2x2x1
jax: 0.10.2.dev20260603
libtpu: 0.0.44.dev20260713+nightly
codegen_flags: <defaults>
</compile_context>

<pallas_src>
import functools

import jax
import jax.numpy as jnp
from jax import lax
from jax.experimental import pallas as pl
from jax.experimental.pallas import tpu as pltpu
from jax.experimental.pallas import tpu_sc as plsc

N_NODES = 10000
N_EDGES = 320000
D = 128

NC = 2
NS = 16
NW = NC * NS

CHUNK = 64
N_CHUNKS = 156
E_PER_TILE = N_CHUNKS * CHUNK
EXTRA_BASE = NW * E_PER_TILE
NB = 4
NP = 10240
ROWS_PER_TILE = NP // NS


def _sc_segment_sum(src, dst, feat):
    mesh = plsc.VectorSubcoreMesh(core_axis_name="c", subcore_axis_name="s")

    @functools.partial(
        pl.kernel,
        out_type=[
            jax.ShapeDtypeStruct((NC * NP, D), jnp.float32),
            jax.ShapeDtypeStruct((NW, NP), jnp.float32),
        ],
        mesh=mesh,
        compiler_params=pltpu.CompilerParams(needs_layout_passes=False),
        scratch_types=(
            [pltpu.VMEM((CHUNK,), jnp.int32)] * NB
            + [pltpu.VMEM((CHUNK,), jnp.int32)] * NB
            + [pltpu.VMEM((CHUNK, D), jnp.float32)] * NB
            + [
                pltpu.VMEM((NP,), jnp.float32),
                pltpu.VMEM_SHARED((NP, D), jnp.float32),
            ]
            + [pltpu.SemaphoreType.DMA] * (2 * NB + 1)
        ),
    )
    def seg(src_hbm, dst_hbm, feat_hbm, acc_out, deg_out, *scr):
        sidxs = scr[0:NB]
        didxs = scr[NB:2 * NB]
        rowbufs = scr[2 * NB:3 * NB]
        deg_local = scr[3 * NB]
        acc_sh = scr[3 * NB + 1]
        gsems = scr[3 * NB + 2:4 * NB + 2]
        isems = scr[4 * NB + 2:5 * NB + 2]
        sem = scr[5 * NB + 2]
        rows = rowbufs[0]
        c = lax.axis_index("c")
        s = lax.axis_index("s")
        wid = s * NC + c

        def fill_iota(buf, start):
            for k in range(CHUNK // 16):
                buf[pl.ds(k * 16, 16)] = start + k * 16 + lax.iota(jnp.int32, 16)

        def fill_rows(i, _):
            for j in range(D // 16):
                rows[i, pl.ds(j * 16, 16)] = jnp.zeros((16,), jnp.float32)
            return 0

        lax.fori_loop(0, CHUNK, fill_rows, 0)

        def fill_deg(i, _):
            for k in range(8):
                deg_local[pl.ds(i * 128 + k * 16, 16)] = jnp.zeros(
                    (16,), jnp.float32)
            return 0

        lax.fori_loop(0, NP // 128, fill_deg, 0)

        base = s * ROWS_PER_TILE
        nz = ROWS_PER_TILE // CHUNK
        for j in range(nz):
            b = j % NB
            if j >= NB:
                pltpu.make_async_copy(rows, acc_sh.at[sidxs[b]],
                                      gsems[b]).wait()
            fill_iota(sidxs[b], base + j * CHUNK)
            pltpu.async_copy(rows, acc_sh.at[sidxs[b]], gsems[b])
        for j in range(nz - NB, nz):
            b = j % NB
            pltpu.make_async_copy(rows, acc_sh.at[sidxs[b]], gsems[b]).wait()
        plsc.subcore_barrier()

        e0 = wid * E_PER_TILE
        ones16 = jnp.ones((16,), jnp.float32)

        def load_idx(b, i):
            eb = e0 + i * CHUNK
            pltpu.async_copy(src_hbm.at[pl.ds(eb, CHUNK)], sidxs[b], isems[b])
            pltpu.async_copy(dst_hbm.at[pl.ds(eb, CHUNK)], didxs[b], isems[b])

        def wait_idx(b, i):
            eb = e0 + i * CHUNK
            pltpu.make_async_copy(src_hbm.at[pl.ds(eb, CHUNK)], sidxs[b],
                                  isems[b]).wait()
            pltpu.make_async_copy(dst_hbm.at[pl.ds(eb, CHUNK)], didxs[b],
                                  isems[b]).wait()

        def issue_gather(b):
            pltpu.async_copy(feat_hbm.at[sidxs[b]], rowbufs[b], gsems[b])

        def consume_core(b, issue_next):
            pltpu.make_async_copy(feat_hbm.at[sidxs[b]], rowbufs[b],
                                  gsems[b]).wait()
            d = pltpu.async_copy(rowbufs[b], acc_sh.at[didxs[b]], sem,
                                 add=True)
            issue_next()
            for k in range(CHUNK // 16):
                dv = didxs[b][pl.ds(k * 16, 16)]
                plsc.addupdate_scatter(deg_local, [dv], ones16)
            d.wait()

        GD = NB - 1
        for b in range(NB):
            load_idx(b, b)
        for b in range(GD):
            wait_idx(b, b)
            issue_gather(b)

        def pipe_body(k, _):
            for b in range(NB):
                i = k * NB + b
                i2 = i + GD
                b2 = (b + GD) % NB

                def issue_next():
                    @pl.when(i2 < N_CHUNKS)
                    def _():
                        wait_idx(b2, i2)
                        issue_gather(b2)

                consume_core(b, issue_next)
                i3 = i + NB

                @pl.when(i3 < N_CHUNKS)
                def _():
                    load_idx(b, i3)
            return 0

        lax.fori_loop(0, N_CHUNKS // NB, pipe_body, 0)
        for i in range((N_CHUNKS // NB) * NB, N_CHUNKS):
            consume_core(i % NB, lambda: None)

        @pl.when(wid < (N_EDGES - EXTRA_BASE) // CHUNK)
        def _():
            eb = EXTRA_BASE + wid * CHUNK
            pltpu.sync_copy(src_hbm.at[pl.ds(eb, CHUNK)], sidxs[0])
            pltpu.sync_copy(dst_hbm.at[pl.ds(eb, CHUNK)], didxs[0])
            pltpu.async_copy(feat_hbm.at[sidxs[0]], rowbufs[0],
                             gsems[0]).wait()
            d = pltpu.async_copy(rowbufs[0], acc_sh.at[didxs[0]], sem,
                                 add=True)
            for k in range(CHUNK // 16):
                dv = didxs[0][pl.ds(k * 16, 16)]
                plsc.addupdate_scatter(deg_local, [dv], ones16)
            d.wait()

        plsc.subcore_barrier()

        pltpu.sync_copy(deg_local, deg_out.at[wid])

        @pl.when(s == 0)
        def _():
            pltpu.sync_copy(acc_sh, acc_out.at[pl.ds(c * NP, NP)])

    return seg(src, dst, feat)


BLK = 1000


def _tc_body(feat_ref, acc_ref, deg_ref, wnT_ref, wsT_ref, b_ref, out_ref):
    deg = jnp.sum(deg_ref[...], axis=1)[:, None]
    scale = jnp.where(deg > 0, 1.0 / jnp.maximum(deg, 1.0), 0.0)
    neigh = (acc_ref[0] + acc_ref[1]) * scale
    out_ref[...] = (
        jnp.dot(feat_ref[...], wsT_ref[...],
                preferred_element_type=jnp.float32,
                precision=lax.Precision.HIGHEST)
        + b_ref[...]
        + jnp.dot(neigh, wnT_ref[...],
                  preferred_element_type=jnp.float32,
                  precision=lax.Precision.HIGHEST)
    )


def _tc_combine(feat, acc, deg, wnT, wsT, b):
    return pl.pallas_call(
        _tc_body,
        grid=(N_NODES // BLK,),
        in_specs=[
            pl.BlockSpec((BLK, D), lambda i: (i, 0)),
            pl.BlockSpec((NC, BLK, D), lambda i: (0, i, 0)),
            pl.BlockSpec((BLK, NW), lambda i: (i, 0)),
            pl.BlockSpec((D, D), lambda i: (0, 0)),
            pl.BlockSpec((D, D), lambda i: (0, 0)),
            pl.BlockSpec((1, D), lambda i: (0, 0)),
        ],
        out_specs=pl.BlockSpec((BLK, D), lambda i: (i, 0)),
        out_shape=jax.ShapeDtypeStruct((N_NODES, D), jnp.float32),
    )(feat, acc, deg, wnT, wsT, b)


def kernel(feat, edge_index, W_neigh, W_self, b_self):
    src = edge_index[0].astype(jnp.int32)
    dst = edge_index[1].astype(jnp.int32)
    acc_flat, deg = _sc_segment_sum(src, dst, feat)
    acc = acc_flat.reshape(NC, NP, D)
    return _tc_combine(feat, acc, deg.T, W_neigh.T, W_self.T,
                       b_self.reshape(1, D))

# --- scband reference (transcript-rebuilt; emitter-appended) ---
"""Pipeline reference for scband-sageconv-5214090297415 (READ-ONLY COPY).

The authoritative reference and input builder live on the scoring server;
editing this copy changes nothing except your own understanding.
"""

import jax, jax.numpy as jnp
import numpy as np

N_NODES = 10000
N_EDGES = 320000
D_IN = 128
D_OUT = 128

def setup_inputs(seed: int = 0) -> dict:
    key = jax.random.key(seed)
    k1, k2, k3, k4, k5 = jax.random.split(key, 5)
    feat = jax.random.normal(k1, (N_NODES, D_IN), dtype=jnp.float32)
    edge_index = jax.random.randint(k2, (2, N_EDGES), 0, N_NODES, dtype=jnp.int64)
    # learned parameters (xavier-uniform-like init, gain for relu)
    gain = float(np.sqrt(2.0))
    bound_neigh = gain * float(np.sqrt(6.0 / (D_IN + D_OUT)))
    W_neigh = jax.random.uniform(k3, (D_OUT, D_IN), minval=-bound_neigh, maxval=bound_neigh, dtype=jnp.float32)
    bound_self = gain * float(np.sqrt(6.0 / (D_IN + D_OUT)))
    W_self = jax.random.uniform(k4, (D_OUT, D_IN), minval=-bound_self, maxval=bound_self, dtype=jnp.float32)
    b_self = jnp.zeros((D_OUT,), dtype=jnp.float32)
    return {"feat": feat, "edge_index": edge_index, "W_neigh": W_neigh, "W_self": W_self, "b_self": b_self}

def reference(feat, edge_index, W_neigh, W_self, b_self):
    # SAGEConv with aggregator_type='mean', feat_drop=0 (identity at eval),
    # lin_before_mp = (in_feats > out_feats) = (128 > 128) = False,
    # so message passing happens on raw features, then fc_neigh.
    src = edge_index[0]
    dst = edge_index[1]
    n = feat.shape[0]
    h_self = feat
    # copy_u('h','m') then fn.mean('m','neigh'): mean of incoming messages per dst node,
    # zero for nodes with no incoming edges (DGL convention).
    msgs = jnp.take(feat, src, axis=0)
    summed = jax.ops.segment_sum(msgs, dst, num_segments=n)
    deg = jax.ops.segment_sum(jnp.ones((msgs.shape[0],), dtype=feat.dtype), dst, num_segments=n)
    h_neigh = jnp.where(deg[:, None] > 0, summed / jnp.maximum(deg, 1.0)[:, None], 0.0)
    # fc_neigh (no bias)
    h_neigh = h_neigh @ W_neigh.T
    # fc_self (with bias) + neighbor term
    rst = h_self @ W_self.T + b_self + h_neigh
    return rst

if __name__ == "__main__":
    import jax
    _d = setup_inputs()
    print(jax.jit(kernel)(*tuple(_d.values())))

</pallas_src>

<mosaic_0001>
#map = affine_map<(d0, d1) -> (0)>
#map1 = affine_map<(d0, d1) -> (0, 0)>
module attributes {stable_mosaic.version = 14 : i64} {
  func.func @seg(%arg0: i32, %arg1: i32, %arg2: memref<320000xi32, #tpu.memory_space<hbm>>, %arg3: memref<320000xi32, #tpu.memory_space<hbm>>, %arg4: memref<10000x128xf32, #tpu.memory_space<hbm>>, %arg5: memref<20480x128xf32, #tpu.memory_space<hbm>>, %arg6: memref<32x10240xf32, #tpu.memory_space<hbm>>, %arg7: memref<64xi32, #tpu.memory_space<vmem>>, %arg8: memref<64xi32, #tpu.memory_space<vmem>>, %arg9: memref<64xi32, #tpu.memory_space<vmem>>, %arg10: memref<64xi32, #tpu.memory_space<vmem>>, %arg11: memref<64xi32, #tpu.memory_space<vmem>>, %arg12: memref<64xi32, #tpu.memory_space<vmem>>, %arg13: memref<64xi32, #tpu.memory_space<vmem>>, %arg14: memref<64xi32, #tpu.memory_space<vmem>>, %arg15: memref<64x128xf32, #tpu.memory_space<vmem>>, %arg16: memref<64x128xf32, #tpu.memory_space<vmem>>, %arg17: memref<64x128xf32, #tpu.memory_space<vmem>>, %arg18: memref<64x128xf32, #tpu.memory_space<vmem>>, %arg19: memref<10240xf32, #tpu.memory_space<vmem>>, %arg20: memref<10240x128xf32, #tpu.memory_space<vmem_shared>>, %arg21: memref<!tpu.dma_semaphore, #tpu.memory_space<semaphore_mem>>, %arg22: memref<!tpu.dma_semaphore, #tpu.memory_space<semaphore_mem>>, %arg23: memref<!tpu.dma_semaphore, #tpu.memory_space<semaphore_mem>>, %arg24: memref<!tpu.dma_semaphore, #tpu.memory_space<semaphore_mem>>, %arg25: memref<!tpu.dma_semaphore, #tpu.memory_space<semaphore_mem>>, %arg26: memref<!tpu.dma_semaphore, #tpu.memory_space<semaphore_mem>>, %arg27: memref<!tpu.dma_semaphore, #tpu.memory_space<semaphore_mem>>, %arg28: memref<!tpu.dma_semaphore, #tpu.memory_space<semaphore_mem>>, %arg29: memref<!tpu.dma_semaphore, #tpu.memory_space<semaphore_mem>>) attributes {dimension_semantics = [#tpu.dimension_semantics<core_parallel>, #tpu.dimension_semantics<subcore_parallel>], iteration_bounds = array<i64: 2, 16>, scalar_prefetch = 0 : i64, scratch_operands = 23 : i64, tpu.core_type = #tpu.core_type<sc_vector_subcore>, window_params = [{transform_indices = #map}, {transform_indices = #map}, {transform_indices = #map1}, {transform_indices = #map1}, {transform_indices = #map1}]} {
    %mul3A = arith.constant 2 : i32
    %mul3A_0 = arith.muli %arg1, %mul3A : i32
    %add3A = arith.addi %mul3A_0, %arg0 : i32
    %scan3A = arith.constant 0 : i32
    %scan3A_1 = arith.constant 0 : i32
    %scan3A_2 = arith.constant 64 : i32
    %scan3A_3 = arith.addi %scan3A_1, %scan3A_2 : i32
    %scan3A_4 = arith.constant 1 : i32
    %scan3A_5 = scf.for %scan3A_440 = %scan3A_1 to %scan3A_3 step %scan3A_4 iter_args(%scan3A_441 = %scan3A) -> (i32)  : i32 {
      %broadcast_in_dim3A_442 = arith.constant 0.000000e+00 : f32
      %broadcast_in_dim3A_443 = vector.broadcast %broadcast_in_dim3A_442 : f32 to vector<16xf32>
      %swap3A_444 = arith.index_cast %scan3A_440 : i32 to index
      %swap3A_445 = arith.constant 0 : index
      %swap3A_446 = tpu.vector_load %arg15[%swap3A_444, %swap3A_445] {strides = array<i32>} : memref<64x128xf32, #tpu.memory_space<vmem>>, vector<16xf32>,
      tpu.vector_store %arg15[%swap3A_444, %swap3A_445], %broadcast_in_dim3A_443 {strides = array<i32>} : memref<64x128xf32, #tpu.memory_space<vmem>>, vector<16xf32>,
      %broadcast_in_dim3A_447 = arith.constant 0.000000e+00 : f32
      %broadcast_in_dim3A_448 = vector.broadcast %broadcast_in_dim3A_447 : f32 to vector<16xf32>
      %swap3A_449 = arith.index_cast %scan3A_440 : i32 to index
      %swap3A_450 = arith.constant 16 : index
      %swap3A_451 = tpu.vector_load %arg15[%swap3A_449, %swap3A_450] {strides = array<i32>} : memref<64x128xf32, #tpu.memory_space<vmem>>, vector<16xf32>,
      tpu.vector_store %arg15[%swap3A_449, %swap3A_450], %broadcast_in_dim3A_448 {strides = array<i32>} : memref<64x128xf32, #tpu.memory_space<vmem>>, vector<16xf32>,
      %broadcast_in_dim3A_452 = arith.constant 0.000000e+00 : f32
      %broadcast_in_dim3A_453 = vector.broadcast %broadcast_in_dim3A_452 : f32 to vector<16xf32>
      %swap3A_454 = arith.index_cast %scan3A_440 : i32 to index
      %swap3A_455 = arith.constant 32 : index
      %swap3A_456 = tpu.vector_load %arg15[%swap3A_454, %swap3A_455] {strides = array<i32>} : memref<64x128xf32, #tpu.memory_space<vmem>>, vector<16xf32>,
      tpu.vector_store %arg15[%swap3A_454, %swap3A_455], %broadcast_in_dim3A_453 {strides = array<i32>} : memref<64x128xf32, #tpu.memory_space<vmem>>, vector<16xf32>,
      %broadcast_in_dim3A_457 = arith.constant 0.000000e+00 : f32
      %broadcast_in_dim3A_458 = vector.broadcast %broadcast_in_dim3A_457 : f32 to vector<16xf32>
      %swap3A_459 = arith.index_cast %scan3A_440 : i32 to index
      %swap3A_460 = arith.constant 48 : index
      %swap3A_461 = tpu.vector_load %arg15[%swap3A_459, %swap3A_460] {strides = array<i32>} : memref<64x128xf32, #tpu.memory_space<vmem>>, vector<16xf32>,
      tpu.vector_store %arg15[%swap3A_459, %swap3A_460], %broadcast_in_dim3A_458 {strides = array<i32>} : memref<64x128xf32, #tpu.memory_space<vmem>>, vector<16xf32>,
      %broadcast_in_dim3A_462 = arith.constant 0.000000e+00 : f32
      %broadcast_in_dim3A_463 = vector.broadcast %broadcast_in_dim3A_462 : f32 to vector<16xf32>
      %swap3A_464 = arith.index_cast %scan3A_440 : i32 to index
      %swap3A_465 = arith.constant 64 : index
      %swap3A_466 = tpu.vector_load %arg15[%swap3A_464, %swap3A_465] {strides = array<i32>} : memref<64x128xf32, #tpu.memory_space<vmem>>, vector<16xf32>,
      tpu.vector_store %arg15[%swap3A_464, %swap3A_465], %broadcast_in_dim3A_463 {strides = array<i32>} : memref<64x128xf32, #tpu.memory_space<vmem>>, vector<16xf32>,
      %broadcast_in_dim3A_467 = arith.constant 0.000000e+00 : f32
      %broadcast_in_dim3A_468 = vector.broadcast %broadcast_in_dim3A_467 : f32 to vector<16xf32>
      %swap3A_469 = arith.index_cast %scan3A_440 : i32 to index
      %swap3A_470 = arith.constant 80 : index
      %swap3A_471 = tpu.vector_load %arg15[%swap3A_469, %swap3A_470] {strides = array<i32>} : memref<64x128xf32, #tpu.memory_space<vmem>>, vector<16xf32>,
      tpu.vector_store %arg15[%swap3A_469, %swap3A_470], %broadcast_in_dim3A_468 {strides = array<i32>} : memref<64x128xf32, #tpu.memory_space<vmem>>, vector<16xf32>,
      %broadcast_in_dim3A_472 = arith.constant 0.000000e+00 : f32
      %broadcast_in_dim3A_473 = vector.broadcast %broadcast_in_dim3A_472 : f32 to vector<16xf32>
      %swap3A_474 = arith.index_cast %scan3A_440 : i32 to index
      %swap3A_475 = arith.constant 96 : index
      %swap3A_476 = tpu.vector_load %arg15[%swap3A_474, %swap3A_475] {strides = array<i32>} : memref<64x128xf32, #tpu.memory_space<vmem>>, vector<16xf32>,
      tpu.vector_store %arg15[%swap3A_474, %swap3A_475], %broadcast_in_dim3A_473 {strides = array<i32>} : memref<64x128xf32, #tpu.memory_space<vmem>>, vector<16xf32>,
      %broadcast_in_dim3A_477 = arith.constant 0.000000e+00 : f32
      %broadcast_in_dim3A_478 = vector.broadcast %broadcast_in_dim3A_477 : f32 to vector<16xf32>
      %swap3A_479 = arith.index_cast %scan3A_440 : i32 to index
      %swap3A_480 = arith.constant 112 : index
      %swap3A_481 = tpu.vector_load %arg15[%swap3A_479, %swap3A_480] {strides = array<i32>} : memref<64x128xf32, #tpu.memory_space<vmem>>, vector<16xf32>,
      tpu.vector_store %arg15[%swap3A_479, %swap3A_480], %broadcast_in_dim3A_478 {strides = array<i32>} : memref<64x128xf32, #tpu.memory_space<vmem>>, vector<16xf32>,
      %scan3A_482 = arith.constant 0 : i32
      scf.yield %scan3A_482 : i32
    }
    %scan3A_6 = arith.constant 64 : i32
    %scan3A_7 = arith.constant 0 : i32
    %scan3A_8 = arith.constant 0 : i32
    %scan3A_9 = arith.constant 80 : i32
    %scan3A_10 = arith.addi %scan3A_8, %scan3A_9 : i32
    %scan3A_11 = arith.constant 1 : i32
    %scan3A_12 = scf.for %scan3A_440 = %scan3A_8 to %scan3A_10 step %scan3A_11 iter_args(%scan3A_441 = %scan3A_7) -> (i32)  : i32 {
      %broadcast_in_dim3A_442 = arith.constant 0.000000e+00 : f32
      %broadcast_in_dim3A_443 = vector.broadcast %broadcast_in_dim3A_442 : f32 to vector<16xf32>
      %mul3A_444 = arith.constant 128 : i32
      %mul3A_445 = arith.muli %scan3A_440, %mul3A_444 : i32
      %add3A_446 = arith.constant 0 : i32
      %add3A_447 = arith.addi %mul3A_445, %add3A_446 : i32
      %swap3A_448 = arith.index_cast %add3A_447 : i32 to index
      %swap3A_449 = tpu.vector_load %arg19[%swap3A_448] {strides = array<i32>} : memref<10240xf32, #tpu.memory_space<vmem>>, vector<16xf32>,
      tpu.vector_store %arg19[%swap3A_448], %broadcast_in_dim3A_443 {strides = array<i32>} : memref<10240xf32, #tpu.memory_space<vmem>>, vector<16xf32>,
      %broadcast_in_dim3A_450 = arith.constant 0.000000e+00 : f32
      %broadcast_in_dim3A_451 = vector.broadcast %broadcast_in_dim3A_450 : f32 to vector<16xf32>
      %mul3A_452 = arith.constant 128 : i32
      %mul3A_453 = arith.muli %scan3A_440, %mul3A_452 : i32
      %add3A_454 = arith.constant 16 : i32
      %add3A_455 = arith.addi %mul3A_453, %add3A_454 : i32
      %swap3A_456 = arith.index_cast %add3A_455 : i32 to index
      %swap3A_457 = tpu.vector_load %arg19[%swap3A_456] {strides = array<i32>} : memref<10240xf32, #tpu.memory_space<vmem>>, vector<16xf32>,
      tpu.vector_store %arg19[%swap3A_456], %broadcast_in_dim3A_451 {strides = array<i32>} : memref<10240xf32, #tpu.memory_space<vmem>>, vector<16xf32>,
      %broadcast_in_dim3A_458 = arith.constant 0.000000e+00 : f32
      %broadcast_in_dim3A_459 = vector.broadcast %broadcast_in_dim3A_458 : f32 to vector<16xf32>
      %mul3A_460 = arith.constant 128 : i32
      %mul3A_461 = arith.muli %scan3A_440, %mul3A_460 : i32
      %add3A_462 = arith.constant 32 : i32
      %add3A_463 = arith.addi %mul3A_461, %add3A_462 : i32
      %swap3A_464 = arith.index_cast %add3A_463 : i32 to index
      %swap3A_465 = tpu.vector_load %arg19[%swap3A_464] {strides = array<i32>} : memref<10240xf32, #tpu.memory_space<vmem>>, vector<16xf32>,
      tpu.vector_store %arg19[%swap3A_464], %broadcast_in_dim3A_459 {strides = array<i32>} : memref<10240xf32, #tpu.memory_space<vmem>>, vector<16xf32>,
      %broadcast_in_dim3A_466 = arith.constant 0.000000e+00 : f32
      %broadcast_in_dim3A_467 = vector.broadcast %broadcast_in_dim3A_466 : f32 to vector<16xf32>
      %mul3A_468 = arith.constant 128 : i32
      %mul3A_469 = arith.muli %scan3A_440, %mul3A_468 : i32
      %add3A_470 = arith.constant 48 : i32
      %add3A_471 = arith.addi %mul3A_469, %add3A_470 : i32
      %swap3A_472 = arith.index_cast %add3A_471 : i32 to index
      %swap3A_473 = tpu.vector_load %arg19[%swap3A_472] {strides = array<i32>} : memref<10240xf32, #tpu.memory_space<vmem>>, vector<16xf32>,
      tpu.vector_store %arg19[%swap3A_472], %broadcast_in_dim3A_467 {strides = array<i32>} : memref<10240xf32, #tpu.memory_space<vmem>>, vector<16xf32>,
      %broadcast_in_dim3A_474 = arith.constant 0.000000e+00 : f32
      %broadcast_in_dim3A_475 = vector.broadcast %broadcast_in_dim3A_474 : f32 to vector<16xf32>
      %mul3A_476 = arith.constant 128 : i32
      %mul3A_477 = arith.muli %scan3A_440, %mul3A_476 : i32
      %add3A_478 = arith.constant 64 : i32
      %add3A_479 = arith.addi %mul3A_477, %add3A_478 : i32
      %swap3A_480 = arith.index_cast %add3A_479 : i32 to index
      %swap3A_481 = tpu.vector_load %arg19[%swap3A_480] {strides = array<i32>} : memref<10240xf32, #tpu.memory_space<vmem>>, vector<16xf32>,
      tpu.vector_store %arg19[%swap3A_480], %broadcast_in_dim3A_475 {strides = array<i32>} : memref<10240xf32, #tpu.memory_space<vmem>>, vector<16xf32>,
      %broadcast_in_dim3A_482 = arith.constant 0.000000e+00 : f32
      %broadcast_in_dim3A_483 = vector.broadcast %broadcast_in_dim3A_482 : f32 to vector<16xf32>
      %mul3A_484 = arith.constant 128 : i32
      %mul3A_485 = arith.muli %scan3A_440, %mul3A_484 : i32
      %add3A_486 = arith.constant 80 : i32
      %add3A_487 = arith.addi %mul3A_485, %add3A_486 : i32
      %swap3A_488 = arith.index_cast %add3A_487 : i32 to index
      %swap3A_489 = tpu.vector_load %arg19[%swap3A_488] {strides = array<i32>} : memref<10240xf32, #tpu.memory_space<vmem>>, vector<16xf32>,
      tpu.vector_store %arg19[%swap3A_488], %broadcast_in_dim3A_483 {strides = array<i32>} : memref<10240xf32, #tpu.memory_space<vmem>>, vector<16xf32>,
      %broadcast_in_dim3A_490 = arith.constant 0.000000e+00 : f32
      %broadcast_in_dim3A_491 = vector.broadcast %broadcast_in_dim3A_490 : f32 to vector<16xf32>
      %mul3A_492 = arith.constant 128 : i32
      %mul3A_493 = arith.muli %scan3A_440, %mul3A_492 : i32
      %add3A_494 = arith.constant 96 : i32
      %add3A_495 = arith.addi %mul3A_493, %add3A_494 : i32
      %swap3A_496 = arith.index_cast %add3A_495 : i32 to index
      %swap3A_497 = tpu.vector_load %arg19[%swap3A_496] {strides = array<i32>} : memref<10240xf32, #tpu.memory_space<vmem>>, vector<16xf32>,
      tpu.vector_store %arg19[%swap3A_496], %broadcast_in_dim3A_491 {strides = array<i32>} : memref<10240xf32, #tpu.memory_space<vmem>>, vector<16xf32>,
      %broadcast_in_dim3A_498 = arith.constant 0.000000e+00 : f32
      %broadcast_in_dim3A_499 = vector.broadcast %broadcast_in_dim3A_498 : f32 to vector<16xf32>
      %mul3A_500 = arith.constant 128 : i32
      %mul3A_501 = arith.muli %scan3A_440, %mul3A_500 : i32
      %add3A_502 = arith.constant 112 : i32
      %add3A_503 = arith.addi %mul3A_501, %add3A_502 : i32
      %swap3A_504 = arith.index_cast %add3A_503 : i32 to index
      %swap3A_505 = tpu.vector_load %arg19[%swap3A_504] {strides = array<i32>} : memref<10240xf32, #tpu.memory_space<vmem>>, vector<16xf32>,
      tpu.vector_store %arg19[%swap3A_504], %broadcast_in_dim3A_499 {strides = array<i32>} : memref<10240xf32, #tpu.memory_space<vmem>>, vector<16xf32>,
      %scan3A_506 = arith.constant 0 : i32
      scf.yield %scan3A_506 : i32
    }
    %scan3A_13 = arith.constant 80 : i32
    %mul3A_14 = arith.constant 640 : i32
    %mul3A_15 = arith.muli %arg1, %mul3A_14 : i32
    %add3A_16 = arith.constant 0 : i32
    %add3A_17 = arith.addi %mul3A_15, %add3A_16 : i32
    %add3A_18 = arith.constant 0 : i32
    %add3A_19 = arith.addi %add3A_17, %add3A_18 : i32
    %iota3A = tpu.iota {dimensions = array<i32: 0>} : vector<16xi32>
    %add3A_20 = vector.broadcast %add3A_19 : i32 to vector<16xi32>
    %add3A_21 = arith.addi %add3A_20, %iota3A : vector<16xi32>
    %swap3A = arith.constant 0 : index
    %swap3A_22 = tpu.vector_load %arg7[%swap3A] {strides = array<i32>} : memref<64xi32, #tpu.memory_space<vmem>>, vector<16xi32>,
    tpu.vector_store %arg7[%swap3A], %add3A_21 {strides = array<i32>} : memref<64xi32, #tpu.memory_space<vmem>>, vector<16xi32>,
    %add3A_23 = arith.constant 16 : i32
    %add3A_24 = arith.addi %add3A_17, %add3A_23 : i32
    %iota3A_25 = tpu.iota {dimensions = array<i32: 0>} : vector<16xi32>
    %add3A_26 = vector.broadcast %add3A_24 : i32 to vector<16xi32>
    %add3A_27 = arith.addi %add3A_26, %iota3A_25 : vector<16xi32>
    %swap3A_28 = arith.constant 16 : index
    %swap3A_29 = tpu.vector_load %arg7[%swap3A_28] {strides = array<i32>} : memref<64xi32, #tpu.memory_space<vmem>>, vector<16xi32>,
    tpu.vector_store %arg7[%swap3A_28], %add3A_27 {strides = array<i32>} : memref<64xi32, #tpu.memory_space<vmem>>, vector<16xi32>,
    %add3A_30 = arith.constant 32 : i32
    %add3A_31 = arith.addi %add3A_17, %add3A_30 : i32
    %iota3A_32 = tpu.iota {dimensions = array<i32: 0>} : vector<16xi32>
    %add3A_33 = vector.broadcast %add3A_31 : i32 to vector<16xi32>
    %add3A_34 = arith.addi %add3A_33, %iota3A_32 : vector<16xi32>
    %swap3A_35 = arith.constant 32 : index
    %swap3A_36 = tpu.vector_load %arg7[%swap3A_35] {strides = array<i32>} : memref<64xi32, #tpu.memory_space<vmem>>, vector<16xi32>,
    tpu.vector_store %arg7[%swap3A_35], %add3A_34 {strides = array<i32>} : memref<64xi32, #tpu.memory_space<vmem>>, vector<16xi32>,
    %add3A_37 = arith.constant 48 : i32
    %add3A_38 = arith.addi %add3A_17, %add3A_37 : i32
    %iota3A_39 = tpu.iota {dimensions = array<i32: 0>} : vector<16xi32>
    %add3A_40 = vector.broadcast %add3A_38 : i32 to vector<16xi32>
    %add3A_41 = arith.addi %add3A_40, %iota3A_39 : vector<16xi32>
    %swap3A_42 = arith.constant 48 : index
    %swap3A_43 = tpu.vector_load %arg7[%swap3A_42] {strides = array<i32>} : memref<64xi32, #tpu.memory_space<vmem>>, vector<16xi32>,
    tpu.vector_store %arg7[%swap3A_42], %add3A_41 {strides = array<i32>} : memref<64xi32, #tpu.memory_space<vmem>>, vector<16xi32>,
    %dma_start3A = arith.constant 0 : i32
    %dma_start3A_44 = arith.constant 0 : i32
    %dma_start3A_45 = tpu.memref_slice %arg20[%dma_start3A, %dma_start3A_44] : memref<10240x128xf32, #tpu.memory_space<vmem_shared>> -> memref<10240x128xf32, #tpu.memory_space<vmem_shared>>
    tpu.enqueue_indirect_dma source(%arg15 : memref<64x128xf32, #tpu.memory_space<vmem>>) target(%dma_start3A_45 : memref<10240x128xf32, #tpu.memory_space<vmem_shared>>) offsets(%arg7 : memref<64xi32, #tpu.memory_space<vmem>>) semaphore(%arg21 : memref<!tpu.dma_semaphore, #tpu.memory_space<semaphore_mem>>)
    %add3A_46 = arith.constant 64 : i32
    %add3A_47 = arith.addi %mul3A_15, %add3A_46 : i32
    %add3A_48 = arith.constant 0 : i32
    %add3A_49 = arith.addi %add3A_47, %add3A_48 : i32
    %iota3A_50 = tpu.iota {dimensions = array<i32: 0>} : vector<16xi32>
    %add3A_51 = vector.broadcast %add3A_49 : i32 to vector<16xi32>
    %add3A_52 = arith.addi %add3A_51, %iota3A_50 : vector<16xi32>
    %swap3A_53 = arith.constant 0 : index
    %swap3A_54 = tpu.vector_load %arg8[%swap3A_53] {strides = array<i32>} : memref<64xi32, #tpu.memory_space<vmem>>, vector<16xi32>,
    tpu.vector_store %arg8[%swap3A_53], %add3A_52 {strides = array<i32>} : memref<64xi32, #tpu.memory_space<vmem>>, vector<16xi32>,
    %add3A_55 = arith.constant 16 : i32
    %add3A_56 = arith.addi %add3A_47, %add3A_55 : i32
    %iota3A_57 = tpu.iota {dimensions = array<i32: 0>} : vector<16xi32>
    %add3A_58 = vector.broadcast %add3A_56 : i32 to vector<16xi32>
    %add3A_59 = arith.addi %add3A_58, %iota3A_57 : vector<16xi32>
    %swap3A_60 = arith.constant 16 : index
    %swap3A_61 = tpu.vector_load %arg8[%swap3A_60] {strides = array<i32>} : memref<64xi32, #tpu.memory_space<vmem>>, vector<16xi32>,
    tpu.vector_store %arg8[%swap3A_60], %add3A_59 {strides = array<i32>} : memref<64xi32, #tpu.memory_space<vmem>>, vector<16xi32>,
    %add3A_62 = arith.constant 32 : i32
    %add3A_63 = arith.addi %add3A_47, %add3A_62 : i32
    %iota3A_64 = tpu.iota {dimensions = array<i32: 0>} : vector<16xi32>
    %add3A_65 = vector.broadcast %add3A_63 : i32 to vector<16xi32>
    %add3A_66 = arith.addi %add3A_65, %iota3A_64 : vector<16xi32>
    %swap3A_67 = arith.constant 32 : index
    %swap3A_68 = tpu.vector_load %arg8[%swap3A_67] {strides = array<i32>} : memref<64xi32, #tpu.memory_space<vmem>>, vector<16xi32>,
    tpu.vector_store %arg8[%swap3A_67], %add3A_66 {strides = array<i32>} : memref<64xi32, #tpu.memory_space<vmem>>, vector<16xi32>,
    %add3A_69 = arith.constant 48 : i32
    %add3A_70 = arith.addi %add3A_47, %add3A_69 : i32
    %iota3A_71 = tpu.iota {dimensions = array<i32: 0>} : vector<16xi32>
    %add3A_72 = vector.broadcast %add3A_70 : i32 to vector<16xi32>
    %add3A_73 = arith.addi %add3A_72, %iota3A_71 : vector<16xi32>
    %swap3A_74 = arith.constant 48 : index
    %swap3A_75 = tpu.vector_load %arg8[%swap3A_74] {strides = array<i32>} : memref<64xi32, #tpu.memory_space<vmem>>, vector<16xi32>,
    tpu.vector_store %arg8[%swap3A_74], %add3A_73 {strides = array<i32>} : memref<64xi32, #tpu.memory_space<vmem>>, vector<16xi32>,
    %dma_start3A_76 = arith.constant 0 : i32
    %dma_start3A_77 = arith.constant 0 : i32
    %dma_start3A_78 = tpu.memref_slice %arg20[%dma_start3A_76, %dma_start3A_77] : memref<10240x128xf32, #tpu.memory_space<vmem_shared>> -> memref<10240x128xf32, #tpu.memory_space<vmem_shared>>
    tpu.enqueue_indirect_dma source(%arg15 : memref<64x128xf32, #tpu.memory_space<vmem>>) target(%dma_start3A_78 : memref<10240x128xf32, #tpu.memory_space<vmem_shared>>) offsets(%arg8 : memref<64xi32, #tpu.memory_space<vmem>>) semaphore(%arg22 : memref<!tpu.dma_semaphore, #tpu.memory_space<semaphore_mem>>)
    %add3A_79 = arith.constant 128 : i32
    %add3A_80 = arith.addi %mul3A_15, %add3A_79 : i32
    %add3A_81 = arith.constant 0 : i32
    %add3A_82 = arith.addi %add3A_80, %add3A_81 : i32
    %iota3A_83 = tpu.iota {dimensions = array<i32: 0>} : vector<16xi32>
    %add3A_84 = vector.broadcast %add3A_82 : i32 to vector<16xi32>
    %add3A_85 = arith.addi %add3A_84, %iota3A_83 : vector<16xi32>
    %swap3A_86 = arith.constant 0 : index
    %swap3A_87 = tpu.vector_load %arg9[%swap3A_86] {strides = array<i32>} : memref<64xi32, #tpu.memory_space<vmem>>, vector<16xi32>,
    tpu.vector_store %arg9[%swap3A_86], %add3A_85 {strides = array<i32>} : memref<64xi32, #tpu.memory_space<vmem>>, vector<16xi32>,
    %add3A_88 = arith.constant 16 : i32
    %add3A_89 = arith.addi %add3A_80, %add3A_88 : i32
    %iota3A_90 = tpu.iota {dimensions = array<i32: 0>} : vector<16xi32>
    %add3A_91 = vector.broadcast %add3A_89 : i32 to vector<16xi32>
    %add3A_92 = arith.addi %add3A_91, %iota3A_90 : vector<16xi32>
    %swap3A_93 = arith.constant 16 : index
    %swap3A_94 = tpu.vector_load %arg9[%swap3A_93] {strides = array<i32>} : memref<64xi32, #tpu.memory_space<vmem>>, vector<16xi32>,
    tpu.vector_store %arg9[%swap3A_93], %add3A_92 {strides = array<i32>} : memref<64xi32, #tpu.memory_space<vmem>>, vector<16xi32>,
    %add3A_95 = arith.constant 32 : i32
    %add3A_96 = arith.addi %add3A_80, %add3A_95 : i32
    %iota3A_97 = tpu.iota {dimensions = array<i32: 0>} : vector<16xi32>
    %add3A_98 = vector.broadcast %add3A_96 : i32 to vector<16xi32>
    %add3A_99 = arith.addi %add3A_98, %iota3A_97 : vector<16xi32>
    %swap3A_100 = arith.constant 32 : index
    %swap3A_101 = tpu.vector_load %arg9[%swap3A_100] {strides = array<i32>} : memref<64xi32, #tpu.memory_space<vmem>>, vector<16xi32>,
    tpu.vector_store %arg9[%swap3A_100], %add3A_99 {strides = array<i32>} : memref<64xi32, #tpu.memory_space<vmem>>, vector<16xi32>,
    %add3A_102 = arith.constant 48 : i32
    %add3A_103 = arith.addi %add3A_80, %add3A_102 : i32
    %iota3A_104 = tpu.iota {dimensions = array<i32: 0>} : vector<16xi32>
    %add3A_105 = vector.broadcast %add3A_103 : i32 to vector<16xi32>
    %add3A_106 = arith.addi %add3A_105, %iota3A_104 : vector<16xi32>
    %swap3A_107 = arith.constant 48 : index
    %swap3A_108 = tpu.vector_load %arg9[%swap3A_107] {strides = array<i32>} : memref<64xi32, #tpu.memory_space<vmem>>, vector<16xi32>,
    tpu.vector_store %arg9[%swap3A_107], %add3A_106 {strides = array<i32>} : memref<64xi32, #tpu.memory_space<vmem>>, vector<16xi32>,
    %dma_start3A_109 = arith.constant 0 : i32
    %dma_start3A_110 = arith.constant 0 : i32
    %dma_start3A_111 = tpu.memref_slice %arg20[%dma_start3A_109, %dma_start3A_110] : memref<10240x128xf32, #tpu.memory_space<vmem_shared>> -> memref<10240x128xf32, #tpu.memory_space<vmem_shared>>
    tpu.enqueue_indirect_dma source(%arg15 : memref<64x128xf32, #tpu.memory_space<vmem>>) target(%dma_start3A_111 : memref<10240x128xf32, #tpu.memory_space<vmem_shared>>) offsets(%arg9 : memref<64xi32, #tpu.memory_space<vmem>>) semaphore(%arg23 : memref<!tpu.dma_semaphore, #tpu.memory_space<semaphore_mem>>)
    %add3A_112 = arith.constant 192 : i32
    %add3A_113 = arith.addi %mul3A_15, %add3A_112 : i32
    %add3A_114 = arith.constant 0 : i32
    %add3A_115 = arith.addi %add3A_113, %add3A_114 : i32
    %iota3A_116 = tpu.iota {dimensions = array<i32: 0>} : vector<16xi32>
    %add3A_117 = vector.broadcast %add3A_115 : i32 to vector<16xi32>
    %add3A_118 = arith.addi %add3A_117, %iota3A_116 : vector<16xi32>
    %swap3A_119 = arith.constant 0 : index
    %swap3A_120 = tpu.vector_load %arg10[%swap3A_119] {strides = array<i32>} : memref<64xi32, #tpu.memory_space<vmem>>, vector<16xi32>,
    tpu.vector_store %arg10[%swap3A_119], %add3A_118 {strides = array<i32>} : memref<64xi32, #tpu.memory_space<vmem>>, vector<16xi32>,
    %add3A_121 = arith.constant 16 : i32
    %add3A_122 = arith.addi %add3A_113, %add3A_121 : i32
    %iota3A_123 = tpu.iota {dimensions = array<i32: 0>} : vector<16xi32>
    %add3A_124 = vector.broadcast %add3A_122 : i32 to vector<16xi32>
    %add3A_125 = arith.addi %add3A_124, %iota3A_123 : vector<16xi32>
    %swap3A_126 = arith.constant 16 : index
    %swap3A_127 = tpu.vector_load %arg10[%swap3A_126] {strides = array<i32>} : memref<64xi32, #tpu.memory_space<vmem>>, vector<16xi32>,
    tpu.vector_store %arg10[%swap3A_126], %add3A_125 {strides = array<i32>} : memref<64xi32, #tpu.memory_space<vmem>>, vector<16xi32>,
    %add3A_128 = arith.constant 32 : i32
    %add3A_129 = arith.addi %add3A_113, %add3A_128 : i32
    %iota3A_130 = tpu.iota {dimensions = array<i32: 0>} : vector<16xi32>
    %add3A_131 = vector.broadcast %add3A_129 : i32 to vector<16xi32>
    %add3A_132 = arith.addi %add3A_131, %iota3A_130 : vector<16xi32>
    %swap3A_133 = arith.constant 32 : index
    %swap3A_134 = tpu.vector_load %arg10[%swap3A_133] {strides = array<i32>} : memref<64xi32, #tpu.memory_space<vmem>>, vector<16xi32>,
    tpu.vector_store %arg10[%swap3A_133], %add3A_132 {strides = array<i32>} : memref<64xi32, #tpu.memory_space<vmem>>, vector<16xi32>,
    %add3A_135 = arith.constant 48 : i32
    %add3A_136 = arith.addi %add3A_113, %add3A_135 : i32
    %iota3A_137 = tpu.iota {dimensions = array<i32: 0>} : vector<16xi32>
    %add3A_138 = vector.broadcast %add3A_136 : i32 to vector<16xi32>
    %add3A_139 = arith.addi %add3A_138, %iota3A_137 : vector<16xi32>
    %swap3A_140 = arith.constant 48 : index
    %swap3A_141 = tpu.vector_load %arg10[%swap3A_140] {strides = array<i32>} : memref<64xi32, #tpu.memory_space<vmem>>, vector<16xi32>,
    tpu.vector_store %arg10[%swap3A_140], %add3A_139 {strides = array<i32>} : memref<64xi32, #tpu.memory_space<vmem>>, vector<16xi32>,
    %dma_start3A_142 = arith.constant 0 : i32
    %dma_start3A_143 = arith.constant 0 : i32
    %dma_start3A_144 = tpu.memref_slice %arg20[%dma_start3A_142, %dma_start3A_143] : memref<10240x128xf32, #tpu.memory_space<vmem_shared>> -> memref<10240x128xf32, #tpu.memory_space<vmem_shared>>
    tpu.enqueue_indirect_dma source(%arg15 : memref<64x128xf32, #tpu.memory_space<vmem>>) target(%dma_start3A_144 : memref<10240x128xf32, #tpu.memory_space<vmem_shared>>) offsets(%arg10 : memref<64xi32, #tpu.memory_space<vmem>>) semaphore(%arg24 : memref<!tpu.dma_semaphore, #tpu.memory_space<semaphore_mem>>)
    %dma_wait3A = arith.constant 0 : i32
    %dma_wait3A_145 = arith.constant 0 : i32
    %dma_wait3A_146 = tpu.memref_slice %arg20[%dma_wait3A, %dma_wait3A_145] : memref<10240x128xf32, #tpu.memory_space<vmem_shared>> -> memref<10240x128xf32, #tpu.memory_space<vmem_shared>>
    tpu.wait_indirect_dma semaphore(%arg21 : memref<!tpu.dma_semaphore, #tpu.memory_space<semaphore_mem>>) src(%arg15 : memref<64x128xf32, #tpu.memory_space<vmem>>) dst(%dma_wait3A_146 : memref<10240x128xf32, #tpu.memory_space<vmem_shared>>)
    %add3A_147 = arith.constant 256 : i32
    %add3A_148 = arith.addi %mul3A_15, %add3A_147 : i32
    %add3A_149 = arith.constant 0 : i32
    %add3A_150 = arith.addi %add3A_148, %add3A_149 : i32
    %iota3A_151 = tpu.iota {dimensions = array<i32: 0>} : vector<16xi32>
    %add3A_152 = vector.broadcast %add3A_150 : i32 to vector<16xi32>
    %add3A_153 = arith.addi %add3A_152, %iota3A_151 : vector<16xi32>
    %swap3A_154 = arith.constant 0 : index
    %swap3A_155 = tpu.vector_load %arg7[%swap3A_154] {strides = array<i32>} : memref<64xi32, #tpu.memory_space<vmem>>, vector<16xi32>,
    tpu.vector_store %arg7[%swap3A_154], %add3A_153 {strides = array<i32>} : memref<64xi32, #tpu.memory_space<vmem>>, vector<16xi32>,
    %add3A_156 = arith.constant 16 : i32
    %add3A_157 = arith.addi %add3A_148, %add3A_156 : i32
    %iota3A_158 = tpu.iota {dimensions = array<i32: 0>} : vector<16xi32>
    %add3A_159 = vector.broadcast %add3A_157 : i32 to vector<16xi32>
    %add3A_160 = arith.addi %add3A_159, %iota3A_158 : vector<16xi32>
    %swap3A_161 = arith.constant 16 : index
    %swap3A_162 = tpu.vector_load %arg7[%swap3A_161] {strides = array<i32>} : memref<64xi32, #tpu.memory_space<vmem>>, vector<16xi32>,
    tpu.vector_store %arg7[%swap3A_161], %add3A_160 {strides = array<i32>} : memref<64xi32, #tpu.memory_space<vmem>>, vector<16xi32>,
    %add3A_163 = arith.constant 32 : i32
    %add3A_164 = arith.addi %add3A_148, %add3A_163 : i32
    %iota3A_165 = tpu.iota {dimensions = array<i32: 0>} : vector<16xi32>
    %add3A_166 = vector.broadcast %add3A_164 : i32 to vector<16xi32>
    %add3A_167 = arith.addi %add3A_166, %iota3A_165 : vector<16xi32>
    %swap3A_168 = arith.constant 32 : index
    %swap3A_169 = tpu.vector_load %arg7[%swap3A_168] {strides = array<i32>} : memref<64xi32, #tpu.memory_space<vmem>>, vector<16xi32>,
    tpu.vector_store %arg7[%swap3A_168], %add3A_167 {strides = array<i32>} : memref<64xi32, #tpu.memory_space<vmem>>, vector<16xi32>,
    %add3A_170 = arith.constant 48 : i32
    %add3A_171 = arith.addi %add3A_148, %add3A_170 : i32
    %iota3A_172 = tpu.iota {dimensions = array<i32: 0>} : vector<16xi32>
    %add3A_173 = vector.broadcast %add3A_171 : i32 to vector<16xi32>
    %add3A_174 = arith.addi %add3A_173, %iota3A_172 : vector<16xi32>
    %swap3A_175 = arith.constant 48 : index
    %swap3A_176 = tpu.vector_load %arg7[%swap3A_175] {strides = array<i32>} : memref<64xi32, #tpu.memory_space<vmem>>, vector<16xi32>,
    tpu.vector_store %arg7[%swap3A_175], %add3A_174 {strides = array<i32>} : memref<64xi32, #tpu.memory_space<vmem>>, vector<16xi32>,
    %dma_start3A_177 = arith.constant 0 : i32
    %dma_start3A_178 = arith.constant 0 : i32
    %dma_start3A_179 = tpu.memref_slice %arg20[%dma_start3A_177, %dma_start3A_178] : memref<10240x128xf32, #tpu.memory_space<vmem_shared>> -> memref<10240x128xf32, #tpu.memory_space<vmem_shared>>
    tpu.enqueue_indirect_dma source(%arg15 : memref<64x128xf32, #tpu.memory_space<vmem>>) target(%dma_start3A_179 : memref<10240x128xf32, #tpu.memory_space<vmem_shared>>) offsets(%arg7 : memref<64xi32, #tpu.memory_space<vmem>>) semaphore(%arg21 : memref<!tpu.dma_semaphore, #tpu.memory_space<semaphore_mem>>)
    %dma_wait3A_180 = arith.constant 0 : i32
    %dma_wait3A_181 = arith.constant 0 : i32
    %dma_wait3A_182 = tpu.memref_slice %arg20[%dma_wait3A_180, %dma_wait3A_181] : memref<10240x128xf32, #tpu.memory_space<vmem_shared>> -> memref<10240x128xf32, #tpu.memory_space<vmem_shared>>
    tpu.wait_indirect_dma semaphore(%arg22 : memref<!tpu.dma_semaphore, #tpu.memory_space<semaphore_mem>>) src(%arg15 : memref<64x128xf32, #tpu.memory_space<vmem>>) dst(%dma_wait3A_182 : memref<10240x128xf32, #tpu.memory_space<vmem_shared>>)
    %add3A_183 = arith.constant 320 : i32
    %add3A_184 = arith.addi %mul3A_15, %add3A_183 : i32
    %add3A_185 = arith.constant 0 : i32
    %add3A_186 = arith.addi %add3A_184, %add3A_185 : i32
    %iota3A_187 = tpu.iota {dimensions = array<i32: 0>} : vector<16xi32>
    %add3A_188 = vector.broadcast %add3A_186 : i32 to vector<16xi32>
    %add3A_189 = arith.addi %add3A_188, %iota3A_187 : vector<16xi32>
    %swap3A_190 = arith.constant 0 : index
    %swap3A_191 = tpu.vector_load %arg8[%swap3A_190] {strides = array<i32>} : memref<64xi32, #tpu.memory_space<vmem>>, vector<16xi32>,
    tpu.vector_store %arg8[%swap3A_190], %add3A_189 {strides = array<i32>} : memref<64xi32, #tpu.memory_space<vmem>>, vector<16xi32>,
    %add3A_192 = arith.constant 16 : i32
    %add3A_193 = arith.addi %add3A_184, %add3A_192 : i32
    %iota3A_194 = tpu.iota {dimensions = array<i32: 0>} : vector<16xi32>
    %add3A_195 = vector.broadcast %add3A_193 : i32 to vector<16xi32>
    %add3A_196 = arith.addi %add3A_195, %iota3A_194 : vector<16xi32>
    %swap3A_197 = arith.constant 16 : index
    %swap3A_198 = tpu.vector_load %arg8[%swap3A_197] {strides = array<i32>} : memref<64xi32, #tpu.memory_space<vmem>>, vector<16xi32>,
    tpu.vector_store %arg8[%swap3A_197], %add3A_196 {strides = array<i32>} : memref<64xi32, #tpu.memory_space<vmem>>, vector<16xi32>,
    %add3A_199 = arith.constant 32 : i32
    %add3A_200 = arith.addi %add3A_184, %add3A_199 : i32
    %iota3A_201 = tpu.iota {dimensions = array<i32: 0>} : vector<16xi32>
    %add3A_202 = vector.broadcast %add3A_200 : i32 to vector<16xi32>
    %add3A_203 = arith.addi %add3A_202, %iota3A_201 : vector<16xi32>
    %swap3A_204 = arith.constant 32 : index
    %swap3A_205 = tpu.vector_load %arg8[%swap3A_204] {strides = array<i32>} : memref<64xi32, #tpu.memory_space<vmem>>, vector<16xi32>,
    tpu.vector_store %arg8[%swap3A_204], %add3A_203 {strides = array<i32>} : memref<64xi32, #tpu.memory_space<vmem>>, vector<16xi32>,
    %add3A_206 = arith.constant 48 : i32
    %add3A_207 = arith.addi %add3A_184, %add3A_206 : i32
    %iota3A_208 = tpu.iota {dimensions = array<i32: 0>} : vector<16xi32>
    %add3A_209 = vector.broadcast %add3A_207 : i32 to vector<16xi32>
    %add3A_210 = arith.addi %add3A_209, %iota3A_208 : vector<16xi32>
    %swap3A_211 = arith.constant 48 : index
    %swap3A_212 = tpu.vector_load %arg8[%swap3A_211] {strides = array<i32>} : memref<64xi32, #tpu.memory_space<vmem>>, vector<16xi32>,
    tpu.vector_store %arg8[%swap3A_211], %add3A_210 {strides = array<i32>} : memref<64xi32, #tpu.memory_space<vmem>>, vector<16xi32>,
    %dma_start3A_213 = arith.constant 0 : i32
    %dma_start3A_214 = arith.constant 0 : i32
    %dma_start3A_215 = tpu.memref_slice %arg20[%dma_start3A_213, %dma_start3A_214] : memref<10240x128xf32, #tpu.memory_space<vmem_shared>> -> memref<10240x128xf32, #tpu.memory_space<vmem_shared>>
    tpu.enqueue_indirect_dma source(%arg15 : memref<64x128xf32, #tpu.memory_space<vmem>>) target(%dma_start3A_215 : memref<10240x128xf32, #tpu.memory_space<vmem_shared>>) offsets(%arg8 : memref<64xi32, #tpu.memory_space<vmem>>) semaphore(%arg22 : memref<!tpu.dma_semaphore, #tpu.memory_space<semaphore_mem>>)
    %dma_wait3A_216 = arith.constant 0 : i32
    %dma_wait3A_217 = arith.constant 0 : i32
    %dma_wait3A_218 = tpu.memref_slice %arg20[%dma_wait3A_216, %dma_wait3A_217] : memref<10240x128xf32, #tpu.memory_space<vmem_shared>> -> memref<10240x128xf32, #tpu.memory_space<vmem_shared>>
    tpu.wait_indirect_dma semaphore(%arg23 : memref<!tpu.dma_semaphore, #tpu.memory_space<semaphore_mem>>) src(%arg15 : memref<64x128xf32, #tpu.memory_space<vmem>>) dst(%dma_wait3A_218 : memref<10240x128xf32, #tpu.memory_space<vmem_shared>>)
    %add3A_219 = arith.constant 384 : i32
    %add3A_220 = arith.addi %mul3A_15, %add3A_219 : i32
    %add3A_221 = arith.constant 0 : i32
    %add3A_222 = arith.addi %add3A_220, %add3A_221 : i32
    %iota3A_223 = tpu.iota {dimensions = array<i32: 0>} : vector<16xi32>
    %add3A_224 = vector.broadcast %add3A_222 : i32 to vector<16xi32>
    %add3A_225 = arith.addi %add3A_224, %iota3A_223 : vector<16xi32>
    %swap3A_226 = arith.constant 0 : index
    %swap3A_227 = tpu.vector_load %arg9[%swap3A_226] {strides = array<i32>} : memref<64xi32, #tpu.memory_space<vmem>>, vector<16xi32>,
    tpu.vector_store %arg9[%swap3A_226], %add3A_225 {strides = array<i32>} : memref<64xi32, #tpu.memory_space<vmem>>, vector<16xi32>,
    %add3A_228 = arith.constant 16 : i32
    %add3A_229 = arith.addi %add3A_220, %add3A_228 : i32
    %iota3A_230 = tpu.iota {dimensions = array<i32: 0>} : vector<16xi32>
    %add3A_231 = vector.broadcast %add3A_229 : i32 to vector<16xi32>
    %add3A_232 = arith.addi %add3A_231, %iota3A_230 : vector<16xi32>
    %swap3A_233 = arith.constant 16 : index
    %swap3A_234 = tpu.vector_load %arg9[%swap3A_233] {strides = array<i32>} : memref<64xi32, #tpu.memory_space<vmem>>, vector<16xi32>,
    tpu.vector_store %arg9[%swap3A_233], %add3A_232 {strides = array<i32>} : memref<64xi32, #tpu.memory_space<vmem>>, vector<16xi32>,
    %add3A_235 = arith.constant 32 : i32
    %add3A_236 = arith.addi %add3A_220, %add3A_235 : i32
    %iota3A_237 = tpu.iota {dimensions = array<i32: 0>} : vector<16xi32>
    %add3A_238 = vector.broadcast %add3A_236 : i32 to vector<16xi32>
    %add3A_239 = arith.addi %add3A_238, %iota3A_237 : vector<16xi32>
    %swap3A_240 = arith.constant 32 : index
    %swap3A_241 = tpu.vector_load %arg9[%swap3A_240] {strides = array<i32>} : memref<64xi32, #tpu.memory_space<vmem>>, vector<16xi32>,
    tpu.vector_store %arg9[%swap3A_240], %add3A_239 {strides = array<i32>} : memref<64xi32, #tpu.memory_space<vmem>>, vector<16xi32>,
    %add3A_242 = arith.constant 48 : i32
    %add3A_243 = arith.addi %add3A_220, %add3A_242 : i32
    %iota3A_244 = tpu.iota {dimensions = array<i32: 0>} : vector<16xi32>
    %add3A_245 = vector.broadcast %add3A_243 : i32 to vector<16xi32>
    %add3A_246 = arith.addi %add3A_245, %iota3A_244 : vector<16xi32>
    %swap3A_247 = arith.constant 48 : index
    %swap3A_248 = tpu.vector_load %arg9[%swap3A_247] {strides = array<i32>} : memref<64xi32, #tpu.memory_space<vmem>>, vector<16xi32>,
    tpu.vector_store %arg9[%swap3A_247], %add3A_246 {strides = array<i32>} : memref<64xi32, #tpu.memory_space<vmem>>, vector<16xi32>,
    %dma_start3A_249 = arith.constant 0 : i32
    %dma_start3A_250 = arith.constant 0 : i32
    %dma_start3A_251 = tpu.memref_slice %arg20[%dma_start3A_249, %dma_start3A_250] : memref<10240x128xf32, #tpu.memory_space<vmem_shared>> -> memref<10240x128xf32, #tpu.memory_space<vmem_shared>>
    tpu.enqueue_indirect_dma source(%arg15 : memref<64x128xf32, #tpu.memory_space<vmem>>) target(%dma_start3A_251 : memref<10240x128xf32, #tpu.memory_space<vmem_shared>>) offsets(%arg9 : memref<64xi32, #tpu.memory_space<vmem>>) semaphore(%arg23 : memref<!tpu.dma_semaphore, #tpu.memory_space<semaphore_mem>>)
    %dma_wait3A_252 = arith.constant 0 : i32
    %dma_wait3A_253 = arith.constant 0 : i32
    %dma_wait3A_254 = tpu.memref_slice %arg20[%dma_wait3A_252, %dma_wait3A_253] : memref<10240x128xf32, #tpu.memory_space<vmem_shared>> -> memref<10240x128xf32, #tpu.memory_space<vmem_shared>>
    tpu.wait_indirect_dma semaphore(%arg24 : memref<!tpu.dma_semaphore, #tpu.memory_space<semaphore_mem>>) src(%arg15 : memref<64x128xf32, #tpu.memory_space<vmem>>) dst(%dma_wait3A_254 : memref<10240x128xf32, #tpu.memory_space<vmem_shared>>)
    %add3A_255 = arith.constant 448 : i32
    %add3A_256 = arith.addi %mul3A_15, %add3A_255 : i32
    %add3A_257 = arith.constant 0 : i32
    %add3A_258 = arith.addi %add3A_256, %add3A_257 : i32
    %iota3A_259 = tpu.iota {dimensions = array<i32: 0>} : vector<16xi32>
    %add3A_260 = vector.broadcast %add3A_258 : i32 to vector<16xi32>
    %add3A_261 = arith.addi %add3A_260, %iota3A_259 : vector<16xi32>
    %swap3A_262 = arith.constant 0 : index
    %swap3A_263 = tpu.vector_load %arg10[%swap3A_262] {strides = array<i32>} : memref<64xi32, #tpu.memory_space<vmem>>, vector<16xi32>,
    tpu.vector_store %arg10[%swap3A_262], %add3A_261 {strides = array<i32>} : memref<64xi32, #tpu.memory_space<vmem>>, vector<16xi32>,
    %add3A_264 = arith.constant 16 : i32
    %add3A_265 = arith.addi %add3A_256, %add3A_264 : i32
    %iota3A_266 = tpu.iota {dimensions = array<i32: 0>} : vector<16xi32>
    %add3A_267 = vector.broadcast %add3A_265 : i32 to vector<16xi32>
    %add3A_268 = arith.addi %add3A_267, %iota3A_266 : vector<16xi32>
    %swap3A_269 = arith.constant 16 : index
    %swap3A_270 = tpu.vector_load %arg10[%swap3A_269] {strides = array<i32>} : memref<64xi32, #tpu.memory_space<vmem>>, vector<16xi32>,
    tpu.vector_store %arg10[%swap3A_269], %add3A_268 {strides = array<i32>} : memref<64xi32, #tpu.memory_space<vmem>>, vector<16xi32>,
    %add3A_271 = arith.constant 32 : i32
    %add3A_272 = arith.addi %add3A_256, %add3A_271 : i32
    %iota3A_273 = tpu.iota {dimensions = array<i32: 0>} : vector<16xi32>
    %add3A_274 = vector.broadcast %add3A_272 : i32 to vector<16xi32>
    %add3A_275 = arith.addi %add3A_274, %iota3A_273 : vector<16xi32>
    %swap3A_276 = arith.constant 32 : index
    %swap3A_277 = tpu.vector_load %arg10[%swap3A_276] {strides = array<i32>} : memref<64xi32, #tpu.memory_space<vmem>>, vector<16xi32>,
    tpu.vector_store %arg10[%swap3A_276], %add3A_275 {strides = array<i32>} : memref<64xi32, #tpu.memory_space<vmem>>, vector<16xi32>,
    %add3A_278 = arith.constant 48 : i32
    %add3A_279 = arith.addi %add3A_256, %add3A_278 : i32
    %iota3A_280 = tpu.iota {dimensions = array<i32: 0>} : vector<16xi32>
    %add3A_281 = vector.broadcast %add3A_279 : i32 to vector<16xi32>
    %add3A_282 = arith.addi %add3A_281, %iota3A_280 : vector<16xi32>
    %swap3A_283 = arith.constant 48 : index
    %swap3A_284 = tpu.vector_load %arg10[%swap3A_283] {strides = array<i32>} : memref<64xi32, #tpu.memory_space<vmem>>, vector<16xi32>,
    tpu.vector_store %arg10[%swap3A_283], %add3A_282 {strides = array<i32>} : memref<64xi32, #tpu.memory_space<vmem>>, vector<16xi32>,
    %dma_start3A_285 = arith.constant 0 : i32
    %dma_start3A_286 = arith.constant 0 : i32
    %dma_start3A_287 = tpu.memref_slice %arg20[%dma_start3A_285, %dma_start3A_286] : memref<10240x128xf32, #tpu.memory_space<vmem_shared>> -> memref<10240x128xf32, #tpu.memory_space<vmem_shared>>
    tpu.enqueue_indirect_dma source(%arg15 : memref<64x128xf32, #tpu.memory_space<vmem>>) target(%dma_start3A_287 : memref<10240x128xf32, #tpu.memory_space<vmem_shared>>) offsets(%arg10 : memref<64xi32, #tpu.memory_space<vmem>>) semaphore(%arg24 : memref<!tpu.dma_semaphore, #tpu.memory_space<semaphore_mem>>)
    %dma_wait3A_288 = arith.constant 0 : i32
    %dma_wait3A_289 = arith.constant 0 : i32
    %dma_wait3A_290 = tpu.memref_slice %arg20[%dma_wait3A_288, %dma_wait3A_289] : memref<10240x128xf32, #tpu.memory_space<vmem_shared>> -> memref<10240x128xf32, #tpu.memory_space<vmem_shared>>
    tpu.wait_indirect_dma semaphore(%arg21 : memref<!tpu.dma_semaphore, #tpu.memory_space<semaphore_mem>>) src(%arg15 : memref<64x128xf32, #tpu.memory_space<vmem>>) dst(%dma_wait3A_290 : memref<10240x128xf32, #tpu.memory_space<vmem_shared>>)
    %add3A_291 = arith.constant 512 : i32
    %add3A_292 = arith.addi %mul3A_15, %add3A_291 : i32
    %add3A_293 = arith.constant 0 : i32
    %add3A_294 = arith.addi %add3A_292, %add3A_293 : i32
    %iota3A_295 = tpu.iota {dimensions = array<i32: 0>} : vector<16xi32>
    %add3A_296 = vector.broadcast %add3A_294 : i32 to vector<16xi32>
    %add3A_297 = arith.addi %add3A_296, %iota3A_295 : vector<16xi32>
    %swap3A_298 = arith.constant 0 : index
    %swap3A_299 = tpu.vector_load %arg7[%swap3A_298] {strides = array<i32>} : memref<64xi32, #tpu.memory_space<vmem>>, vector<16xi32>,
    tpu.vector_store %arg7[%swap3A_298], %add3A_297 {strides = array<i32>} : memref<64xi32, #tpu.memory_space<vmem>>, vector<16xi32>,
    %add3A_300 = arith.constant 16 : i32
    %add3A_301 = arith.addi %add3A_292, %add3A_300 : i32
    %iota3A_302 = tpu.iota {dimensions = array<i32: 0>} : vector<16xi32>
    %add3A_303 = vector.broadcast %add3A_301 : i32 to vector<16xi32>
    %add3A_304 = arith.addi %add3A_303, %iota3A_302 : vector<16xi32>
    %swap3A_305 = arith.constant 16 : index
    %swap3A_306 = tpu.vector_load %arg7[%swap3A_305] {strides = array<i32>} : memref<64xi32, #tpu.memory_space<vmem>>, vector<16xi32>,
    tpu.vector_store %arg7[%swap3A_305], %add3A_304 {strides = array<i32>} : memref<64xi32, #tpu.memory_space<vmem>>, vector<16xi32>,
    %add3A_307 = arith.constant 32 : i32
    %add3A_308 = arith.addi %add3A_292, %add3A_307 : i32
    %iota3A_309 = tpu.iota {dimensions = array<i32: 0>} : vector<16xi32>
    %add3A_310 = vector.broadcast %add3A_308 : i32 to vector<16xi32>
    %add3A_311 = arith.addi %add3A_310, %iota3A_309 : vector<16xi32>
    %swap3A_312 = arith.constant 32 : index
    %swap3A_313 = tpu.vector_load %arg7[%swap3A_312] {strides = array<i32>} : memref<64xi32, #tpu.memory_space<vmem>>, vector<16xi32>,
    tpu.vector_store %arg7[%swap3A_312], %add3A_311 {strides = array<i32>} : memref<64xi32, #tpu.memory_space<vmem>>, vector<16xi32>,
    %add3A_314 = arith.constant 48 : i32
    %add3A_315 = arith.addi %add3A_292, %add3A_314 : i32
    %iota3A_316 = tpu.iota {dimensions = array<i32: 0>} : vector<16xi32>
    %add3A_317 = vector.broadcast %add3A_315 : i32 to vector<16xi32>
    %add3A_318 = arith.addi %add3A_317, %iota3A_316 : vector<16xi32>
    %swap3A_319 = arith.constant 48 : index
    %swap3A_320 = tpu.vector_load %arg7[%swap3A_319] {strides = array<i32>} : memref<64xi32, #tpu.memory_space<vmem>>, vector<16xi32>,
    tpu.vector_store %arg7[%swap3A_319], %add3A_318 {strides = array<i32>} : memref<64xi32, #tpu.memory_space<vmem>>, vector<16xi32>,
    %dma_start3A_321 = arith.constant 0 : i32
    %dma_start3A_322 = arith.constant 0 : i32
    %dma_start3A_323 = tpu.memref_slice %arg20[%dma_start3A_321, %dma_start3A_322] : memref<10240x128xf32, #tpu.memory_space<vmem_shared>> -> memref<10240x128xf32, #tpu.memory_space<vmem_shared>>
    tpu.enqueue_indirect_dma source(%arg15 : memref<64x128xf32, #tpu.memory_space<vmem>>) target(%dma_start3A_323 : memref<10240x128xf32, #tpu.memory_space<vmem_shared>>) offsets(%arg7 : memref<64xi32, #tpu.memory_space<vmem>>) semaphore(%arg21 : memref<!tpu.dma_semaphore, #tpu.memory_space<semaphore_mem>>)
    %dma_wait3A_324 = arith.constant 0 : i32
    %dma_wait3A_325 = arith.constant 0 : i32
    %dma_wait3A_326 = tpu.memref_slice %arg20[%dma_wait3A_324, %dma_wait3A_325] : memref<10240x128xf32, #tpu.memory_space<vmem_shared>> -> memref<10240x128xf32, #tpu.memory_space<vmem_shared>>
    tpu.wait_indirect_dma semaphore(%arg22 : memref<!tpu.dma_semaphore, #tpu.memory_space<semaphore_mem>>) src(%arg15 : memref<64x128xf32, #tpu.memory_space<vmem>>) dst(%dma_wait3A_326 : memref<10240x128xf32, #tpu.memory_space<vmem_shared>>)
    %add3A_327 = arith.constant 576 : i32
    %add3A_328 = arith.addi %mul3A_15, %add3A_327 : i32
    %add3A_329 = arith.constant 0 : i32
    %add3A_330 = arith.addi %add3A_328, %add3A_329 : i32
    %iota3A_331 = tpu.iota {dimensions = array<i32: 0>} : vector<16xi32>
    %add3A_332 = vector.broadcast %add3A_330 : i32 to vector<16xi32>
    %add3A_333 = arith.addi %add3A_332, %iota3A_331 : vector<16xi32>
    %swap3A_334 = arith.constant 0 : index
    %swap3A_335 = tpu.vector_load %arg8[%swap3A_334] {strides = array<i32>} : memref<64xi32, #tpu.memory_space<vmem>>, vector<16xi32>,
    tpu.vector_store %arg8[%swap3A_334], %add3A_333 {strides = array<i32>} : memref<64xi32, #tpu.memory_space<vmem>>, vector<16xi32>,
    %add3A_336 = arith.constant 16 : i32
    %add3A_337 = arith.addi %add3A_328, %add3A_336 : i32
    %iota3A_338 = tpu.iota {dimensions = array<i32: 0>} : vector<16xi32>
    %add3A_339 = vector.broadcast %add3A_337 : i32 to vector<16xi32>
    %add3A_340 = arith.addi %add3A_339, %iota3A_338 : vector<16xi32>
    %swap3A_341 = arith.constant 16 : index
    %swap3A_342 = tpu.vector_load %arg8[%swap3A_341] {strides = array<i32>} : memref<64xi32, #tpu.memory_space<vmem>>, vector<16xi32>,
    tpu.vector_store %arg8[%swap3A_341], %add3A_340 {strides = array<i32>} : memref<64xi32, #tpu.memory_space<vmem>>, vector<16xi32>,
    %add3A_343 = arith.constant 32 : i32
    %add3A_344 = arith.addi %add3A_328, %add3A_343 : i32
    %iota3A_345 = tpu.iota {dimensions = array<i32: 0>} : vector<16xi32>
    %add3A_346 = vector.broadcast %add3A_344 : i32 to vector<16xi32>
    %add3A_347 = arith.addi %add3A_346, %iota3A_345 : vector<16xi32>
    %swap3A_348 = arith.constant 32 : index
    %swap3A_349 = tpu.vector_load %arg8[%swap3A_348] {strides = array<i32>} : memref<64xi32, #tpu.memory_space<vmem>>, vector<16xi32>,
    tpu.vector_store %arg8[%swap3A_348], %add3A_347 {strides = array<i32>} : memref<64xi32, #tpu.memory_space<vmem>>, vector<16xi32>,
    %add3A_350 = arith.constant 48 : i32
    %add3A_351 = arith.addi %add3A_328, %add3A_350 : i32
    %iota3A_352 = tpu.iota {dimensions = array<i32: 0>} : vector<16xi32>
    %add3A_353 = vector.broadcast %add3A_351 : i32 to vector<16xi32>
    %add3A_354 = arith.addi %add3A_353, %iota3A_352 : vector<16xi32>
    %swap3A_355 = arith.constant 48 : index
    %swap3A_356 = tpu.vector_load %arg8[%swap3A_355] {strides = array<i32>} : memref<64xi32, #tpu.memory_space<vmem>>, vector<16xi32>,
    tpu.vector_store %arg8[%swap3A_355], %add3A_354 {strides = array<i32>} : memref<64xi32, #tpu.memory_space<vmem>>, vector<16xi32>,
    %dma_start3A_357 = arith.constant 0 : i32
    %dma_start3A_358 = arith.constant 0 : i32
    %dma_start3A_359 = tpu.memref_slice %arg20[%dma_start3A_357, %dma_start3A_358] : memref<10240x128xf32, #tpu.memory_space<vmem_shared>> -> memref<10240x128xf32, #tpu.memory_space<vmem_shared>>
    tpu.enqueue_indirect_dma source(%arg15 : memref<64x128xf32, #tpu.memory_space<vmem>>) target(%dma_start3A_359 : memref<10240x128xf32, #tpu.memory_space<vmem_shared>>) offsets(%arg8 : memref<64xi32, #tpu.memory_space<vmem>>) semaphore(%arg22 : memref<!tpu.dma_semaphore, #tpu.memory_space<semaphore_mem>>)
    %dma_wait3A_360 = arith.constant 0 : i32
    %dma_wait3A_361 = arith.constant 0 : i32
    %dma_wait3A_362 = tpu.memref_slice %arg20[%dma_wait3A_360, %dma_wait3A_361] : memref<10240x128xf32, #tpu.memory_space<vmem_shared>> -> memref<10240x128xf32, #tpu.memory_space<vmem_shared>>
    tpu.wait_indirect_dma semaphore(%arg23 : memref<!tpu.dma_semaphore, #tpu.memory_space<semaphore_mem>>) src(%arg15 : memref<64x128xf32, #tpu.memory_space<vmem>>) dst(%dma_wait3A_362 : memref<10240x128xf32, #tpu.memory_space<vmem_shared>>)
    %dma_wait3A_363 = arith.constant 0 : i32
    %dma_wait3A_364 = arith.constant 0 : i32
    %dma_wait3A_365 = tpu.memref_slice %arg20[%dma_wait3A_363, %dma_wait3A_364] : memref<10240x128xf32, #tpu.memory_space<vmem_shared>> -> memref<10240x128xf32, #tpu.memory_space<vmem_shared>>
    tpu.wait_indirect_dma semaphore(%arg24 : memref<!tpu.dma_semaphore, #tpu.memory_space<semaphore_mem>>) src(%arg15 : memref<64x128xf32, #tpu.memory_space<vmem>>) dst(%dma_wait3A_365 : memref<10240x128xf32, #tpu.memory_space<vmem_shared>>)
    %dma_wait3A_366 = arith.constant 0 : i32
    %dma_wait3A_367 = arith.constant 0 : i32
    %dma_wait3A_368 = tpu.memref_slice %arg20[%dma_wait3A_366, %dma_wait3A_367] : memref<10240x128xf32, #tpu.memory_space<vmem_shared>> -> memref<10240x128xf32, #tpu.memory_space<vmem_shared>>
    tpu.wait_indirect_dma semaphore(%arg21 : memref<!tpu.dma_semaphore, #tpu.memory_space<semaphore_mem>>) src(%arg15 : memref<64x128xf32, #tpu.memory_space<vmem>>) dst(%dma_wait3A_368 : memref<10240x128xf32, #tpu.memory_space<vmem_shared>>)
    %dma_wait3A_369 = arith.constant 0 : i32
    %dma_wait3A_370 = arith.constant 0 : i32
    %dma_wait3A_371 = tpu.memref_slice %arg20[%dma_wait3A_369, %dma_wait3A_370] : memref<10240x128xf32, #tpu.memory_space<vmem_shared>> -> memref<10240x128xf32, #tpu.memory_space<vmem_shared>>
    tpu.wait_indirect_dma semaphore(%arg22 : memref<!tpu.dma_semaphore, #tpu.memory_space<semaphore_mem>>) src(%arg15 : memref<64x128xf32, #tpu.memory_space<vmem>>) dst(%dma_wait3A_371 : memref<10240x128xf32, #tpu.memory_space<vmem_shared>>)
    %barrier3A = arith.constant 0 : index
    tpu.barrier barrier_id(%barrier3A)
    %mul3A_372 = arith.constant 9984 : i32
    %mul3A_373 = arith.muli %add3A, %mul3A_372 : i32
    %broadcast_in_dim3A = arith.constant 1.000000e+00 : f32
    %broadcast_in_dim3A_374 = vector.broadcast %broadcast_in_dim3A : f32 to vector<16xf32>
    %add3A_375 = arith.constant 0 : i32
    %add3A_376 = arith.addi %mul3A_373, %add3A_375 : i32
    %dma_start3A_377 = tpu.memref_slice %arg2[%add3A_376] : memref<320000xi32, #tpu.memory_space<hbm>> -> memref<64xi32, #tpu.memory_space<hbm>>
    %dma_start3A_378 = tpu.memref_slice %arg2[%add3A_376] : memref<320000xi32, #tpu.memory_space<hbm>> -> memref<64xi32, #tpu.memory_space<hbm>>
    tpu.enqueue_dma source(%dma_start3A_378 : memref<64xi32, #tpu.memory_space<hbm>>) target(%arg7 : memref<64xi32, #tpu.memory_space<vmem>>) target_semaphore(%arg25 : memref<!tpu.dma_semaphore, #tpu.memory_space<semaphore_mem>>)
    %dma_start3A_379 = tpu.memref_slice %arg3[%add3A_376] : memref<320000xi32, #tpu.memory_space<hbm>> -> memref<64xi32, #tpu.memory_space<hbm>>
    %dma_start3A_380 = tpu.memref_slice %arg3[%add3A_376] : memref<320000xi32, #tpu.memory_space<hbm>> -> memref<64xi32, #tpu.memory_space<hbm>>
    tpu.enqueue_dma source(%dma_start3A_380 : memref<64xi32, #tpu.memory_space<hbm>>) target(%arg11 : memref<64xi32, #tpu.memory_space<vmem>>) target_semaphore(%arg25 : memref<!tpu.dma_semaphore, #tpu.memory_space<semaphore_mem>>)
    %add3A_381 = arith.constant 64 : i32
    %add3A_382 = arith.addi %mul3A_373, %add3A_381 : i32
    %dma_start3A_383 = tpu.memref_slice %arg2[%add3A_382] : memref<320000xi32, #tpu.memory_space<hbm>> -> memref<64xi32, #tpu.memory_space<hbm>>
    %dma_start3A_384 = tpu.memref_slice %arg2[%add3A_382] : memref<320000xi32, #tpu.memory_space<hbm>> -> memref<64xi32, #tpu.memory_space<hbm>>
    tpu.enqueue_dma source(%dma_start3A_384 : memref<64xi32, #tpu.memory_space<hbm>>) target(%arg8 : memref<64xi32, #tpu.memory_space<vmem>>) target_semaphore(%arg26 : memref<!tpu.dma_semaphore, #tpu.memory_space<semaphore_mem>>)
    %dma_start3A_385 = tpu.memref_slice %arg3[%add3A_382] : memref<320000xi32, #tpu.memory_space<hbm>> -> memref<64xi32, #tpu.memory_space<hbm>>
    %dma_start3A_386 = tpu.memref_slice %arg3[%add3A_382] : memref<320000xi32, #tpu.memory_space<hbm>> -> memref<64xi32, #tpu.memory_space<hbm>>
    tpu.enqueue_dma source(%dma_start3A_386 : memref<64xi32, #tpu.memory_space<hbm>>) target(%arg12 : memref<64xi32, #tpu.memory_space<vmem>>) target_semaphore(%arg26 : memref<!tpu.dma_semaphore, #tpu.memory_space<semaphore_mem>>)
    %add3A_387 = arith.constant 128 : i32
    %add3A_388 = arith.addi %mul3A_373, %add3A_387 : i32
    %dma_start3A_389 = tpu.memref_slice %arg2[%add3A_388] : memref<320000xi32, #tpu.memory_space<hbm>> -> memref<64xi32, #tpu.memory_space<hbm>>
    %dma_start3A_390 = tpu.memref_slice %arg2[%add3A_388] : memref<320000xi32, #tpu.memory_space<hbm>> -> memref<64xi32, #tpu.memory_space<hbm>>
    tpu.enqueue_dma source(%dma_start3A_390 : memref<64xi32, #tpu.memory_space<hbm>>) target(%arg9 : memref<64xi32, #tpu.memory_space<vmem>>) target_semaphore(%arg27 : memref<!tpu.dma_semaphore, #tpu.memory_space<semaphore_mem>>)
    %dma_start3A_391 = tpu.memref_slice %arg3[%add3A_388] : memref<320000xi32, #tpu.memory_space<hbm>> -> memref<64xi32, #tpu.memory_space<hbm>>
    %dma_start3A_392 = tpu.memref_slice %arg3[%add3A_388] : memref<320000xi32, #tpu.memory_space<hbm>> -> memref<64xi32, #tpu.memory_space<hbm>>
    tpu.enqueue_dma source(%dma_start3A_392 : memref<64xi32, #tpu.memory_space<hbm>>) target(%arg13 : memref<64xi32, #tpu.memory_space<vmem>>) target_semaphore(%arg27 : memref<!tpu.dma_semaphore, #tpu.memory_space<semaphore_mem>>)
    %add3A_393 = arith.constant 192 : i32
    %add3A_394 = arith.addi %mul3A_373, %add3A_393 : i32
    %dma_start3A_395 = tpu.memref_slice %arg2[%add3A_394] : memref<320000xi32, #tpu.memory_space<hbm>> -> memref<64xi32, #tpu.memory_space<hbm>>
    %dma_start3A_396 = tpu.memref_slice %arg2[%add3A_394] : memref<320000xi32, #tpu.memory_space<hbm>> -> memref<64xi32, #tpu.memory_space<hbm>>
    tpu.enqueue_dma source(%dma_start3A_396 : memref<64xi32, #tpu.memory_space<hbm>>) target(%arg10 : memref<64xi32, #tpu.memory_space<vmem>>) target_semaphore(%arg28 : memref<!tpu.dma_semaphore, #tpu.memory_space<semaphore_mem>>)
    %dma_start3A_397 = tpu.memref_slice %arg3[%add3A_394] : memref<320000xi32, #tpu.memory_space<hbm>> -> memref<64xi32, #tpu.memory_space<hbm>>
    %dma_start3A_398 = tpu.memref_slice %arg3[%add3A_394] : memref<320000xi32, #tpu.memory_space<hbm>> -> memref<64xi32, #tpu.memory_space<hbm>>
    tpu.enqueue_dma source(%dma_start3A_398 : memref<64xi32, #tpu.memory_space<hbm>>) target(%arg14 : memref<64xi32, #tpu.memory_space<vmem>>) target_semaphore(%arg28 : memref<!tpu.dma_semaphore, #tpu.memory_space<semaphore_mem>>)
    %add3A_399 = arith.constant 0 : i32
    %add3A_400 = arith.addi %mul3A_373, %add3A_399 : i32
    %dma_wait3A_401 = tpu.memref_slice %arg2[%add3A_400] : memref<320000xi32, #tpu.memory_space<hbm>> -> memref<64xi32, #tpu.memory_space<hbm>>
    %dma_wait3A_402 = tpu.memref_slice %arg2[%add3A_400] : memref<320000xi32, #tpu.memory_space<hbm>> -> memref<64xi32, #tpu.memory_space<hbm>>
    tpu.wait_dma2 semaphore(%arg25 : memref<!tpu.dma_semaphore, #tpu.memory_space<semaphore_mem>>) src(%dma_wait3A_402 : memref<64xi32, #tpu.memory_space<hbm>>) dst(%arg7 : memref<64xi32, #tpu.memory_space<vmem>>)
    %dma_wait3A_403 = tpu.memref_slice %arg3[%add3A_400] : memref<320000xi32, #tpu.memory_space<hbm>> -> memref<64xi32, #tpu.memory_space<hbm>>
    %dma_wait3A_404 = tpu.memref_slice %arg3[%add3A_400] : memref<320000xi32, #tpu.memory_space<hbm>> -> memref<64xi32, #tpu.memory_space<hbm>>
    tpu.wait_dma2 semaphore(%arg25 : memref<!tpu.dma_semaphore, #tpu.memory_space<semaphore_mem>>) src(%dma_wait3A_404 : memref<64xi32, #tpu.memory_space<hbm>>) dst(%arg11 : memref<64xi32, #tpu.memory_space<vmem>>)
    %dma_start3A_405 = arith.constant 0 : i32
    %dma_start3A_406 = arith.constant 0 : i32
    %dma_start3A_407 = tpu.memref_slice %arg4[%dma_start3A_405, %dma_start3A_406] : memref<10000x128xf32, #tpu.memory_space<hbm>> -> memref<10000x128xf32, #tpu.memory_space<hbm>>
    tpu.enqueue_indirect_dma source(%dma_start3A_407 : memref<10000x128xf32, #tpu.memory_space<hbm>>) target(%arg15 : memref<64x128xf32, #tpu.memory_space<vmem>>) offsets(%arg7 : memref<64xi32, #tpu.memory_space<vmem>>) semaphore(%arg21 : memref<!tpu.dma_semaphore, #tpu.memory_space<semaphore_mem>>)
    %add3A_408 = arith.constant 64 : i32
    %add3A_409 = arith.addi %mul3A_373, %add3A_408 : i32
    %dma_wait3A_410 = tpu.memref_slice %arg2[%add3A_409] : memref<320000xi32, #tpu.memory_space<hbm>> -> memref<64xi32, #tpu.memory_space<hbm>>
    %dma_wait3A_411 = tpu.memref_slice %arg2[%add3A_409] : memref<320000xi32, #tpu.memory_space<hbm>> -> memref<64xi32, #tpu.memory_space<hbm>>
    tpu.wait_dma2 semaphore(%arg26 : memref<!tpu.dma_semaphore, #tpu.memory_space<semaphore_mem>>) src(%dma_wait3A_411 : memref<64xi32, #tpu.memory_space<hbm>>) dst(%arg8 : memref<64xi32, #tpu.memory_space<vmem>>)
    %dma_wait3A_412 = tpu.memref_slice %arg3[%add3A_409] : memref<320000xi32, #tpu.memory_space<hbm>> -> memref<64xi32, #tpu.memory_space<hbm>>
    %dma_wait3A_413 = tpu.memref_slice %arg3[%add3A_409] : memref<320000xi32, #tpu.memory_space<hbm>> -> memref<64xi32, #tpu.memory_space<hbm>>
    tpu.wait_dma2 semaphore(%arg26 : memref<!tpu.dma_semaphore, #tpu.memory_space<semaphore_mem>>) src(%dma_wait3A_413 : memref<64xi32, #tpu.memory_space<hbm>>) dst(%arg12 : memref<64xi32, #tpu.memory_space<vmem>>)
    %dma_start3A_414 = arith.constant 0 : i32
    %dma_start3A_415 = arith.constant 0 : i32
    %dma_start3A_416 = tpu.memref_slice %arg4[%dma_start3A_414, %dma_start3A_415] : memref<10000x128xf32, #tpu.memory_space<hbm>> -> memref<10000x128xf32, #tpu.memory_space<hbm>>
    tpu.enqueue_indirect_dma source(%dma_start3A_416 : memref<10000x128xf32, #tpu.memory_space<hbm>>) target(%arg16 : memref<64x128xf32, #tpu.memory_space<vmem>>) offsets(%arg8 : memref<64xi32, #tpu.memory_space<vmem>>) semaphore(%arg22 : memref<!tpu.dma_semaphore, #tpu.memory_space<semaphore_mem>>)
    %add3A_417 = arith.constant 128 : i32
    %add3A_418 = arith.addi %mul3A_373, %add3A_417 : i32
    %dma_wait3A_419 = tpu.memref_slice %arg2[%add3A_418] : memref<320000xi32, #tpu.memory_space<hbm>> -> memref<64xi32, #tpu.memory_space<hbm>>
    %dma_wait3A_420 = tpu.memref_slice %arg2[%add3A_418] : memref<320000xi32, #tpu.memory_space<hbm>> -> memref<64xi32, #tpu.memory_space<hbm>>
    tpu.wait_dma2 semaphore(%arg27 : memref<!tpu.dma_semaphore, #tpu.memory_space<semaphore_mem>>) src(%dma_wait3A_420 : memref<64xi32, #tpu.memory_space<hbm>>) dst(%arg9 : memref<64xi32, #tpu.memory_space<vmem>>)
    %dma_wait3A_421 = tpu.memref_slice %arg3[%add3A_418] : memref<320000xi32, #tpu.memory_space<hbm>> -> memref<64xi32, #tpu.memory_space<hbm>>
    %dma_wait3A_422 = tpu.memref_slice %arg3[%add3A_418] : memref<320000xi32, #tpu.memory_space<hbm>> -> memref<64xi32, #tpu.memory_space<hbm>>
    tpu.wait_dma2 semaphore(%arg27 : memref<!tpu.dma_semaphore, #tpu.memory_space<semaphore_mem>>) src(%dma_wait3A_422 : memref<64xi32, #tpu.memory_space<hbm>>) dst(%arg13 : memref<64xi32, #tpu.memory_space<vmem>>)
    %dma_start3A_423 = arith.constant 0 : i32
    %dma_start3A_424 = arith.constant 0 : i32
    %dma_start3A_425 = tpu.memref_slice %arg4[%dma_start3A_423, %dma_start3A_424] : memref<10000x128xf32, #tpu.memory_space<hbm>> -> memref<10000x128xf32, #tpu.memory_space<hbm>>
    tpu.enqueue_indirect_dma source(%dma_start3A_425 : memref<10000x128xf32, #tpu.memory_space<hbm>>) target(%arg17 : memref<64x128xf32, #tpu.memory_space<vmem>>) offsets(%arg9 : memref<64xi32, #tpu.memory_space<vmem>>) semaphore(%arg23 : memref<!tpu.dma_semaphore, #tpu.memory_space<semaphore_mem>>)
    %scan3A_426 = arith.constant 0 : i32
    %scan3A_427 = arith.constant 0 : i32
    %scan3A_428 = arith.constant 39 : i32
    %scan3A_429 = arith.addi %scan3A_427, %scan3A_428 : i32
    %scan3A_430 = arith.constant 1 : i32
    %scan3A_431 = scf.for %scan3A_440 = %scan3A_427 to %scan3A_429 step %scan3A_430 iter_args(%scan3A_441 = %scan3A_426) -> (i32)  : i32 {
      %mul3A_442 = arith.constant 4 : i32
      %mul3A_443 = arith.muli %scan3A_440, %mul3A_442 : i32
      %add3A_444 = arith.constant 0 : i32
      %add3A_445 = arith.addi %mul3A_443, %add3A_444 : i32
      %add3A_446 = arith.constant 3 : i32
      %add3A_447 = arith.addi %add3A_445, %add3A_446 : i32
      %dma_wait3A_448 = arith.constant 0 : i32
      %dma_wait3A_449 = arith.constant 0 : i32
      %dma_wait3A_450 = tpu.memref_slice %arg4[%dma_wait3A_448, %dma_wait3A_449] : memref<10000x128xf32, #tpu.memory_space<hbm>> -> memref<10000x128xf32, #tpu.memory_space<hbm>>
      tpu.wait_indirect_dma semaphore(%arg21 : memref<!tpu.dma_semaphore, #tpu.memory_space<semaphore_mem>>) src(%dma_wait3A_450 : memref<10000x128xf32, #tpu.memory_space<hbm>>) dst(%arg15 : memref<64x128xf32, #tpu.memory_space<vmem>>)
      %dma_start3A_451 = arith.constant 0 : i32
      %dma_start3A_452 = arith.constant 0 : i32
      %dma_start3A_453 = tpu.memref_slice %arg20[%dma_start3A_451, %dma_start3A_452] : memref<10240x128xf32, #tpu.memory_space<vmem_shared>> -> memref<10240x128xf32, #tpu.memory_space<vmem_shared>>
      tpu.enqueue_indirect_dma source(%arg15 : memref<64x128xf32, #tpu.memory_space<vmem>>) target(%dma_start3A_453 : memref<10240x128xf32, #tpu.memory_space<vmem_shared>>) offsets(%arg11 : memref<64xi32, #tpu.memory_space<vmem>>) semaphore(%arg29 : memref<!tpu.dma_semaphore, #tpu.memory_space<semaphore_mem>>) {add = true}
      %lt3A_454 = arith.constant 156 : i32
      %lt3A_455 = arith.cmpi slt, %add3A_447, %lt3A_454 : i32
      %convert_element_type3A_456 = arith.extui %lt3A_455 : i1 to i32
      %cond3A_457 = arith.constant 0 : i32
      %cond3A_458 = arith.cmpi ne, %convert_element_type3A_456, %cond3A_457 : i32
      scf.if %cond3A_458 {
        %mul3A_582 = arith.constant 64 : i32
        %mul3A_583 = arith.muli %add3A_447, %mul3A_582 : i32
        %add3A_584 = arith.addi %mul3A_373, %mul3A_583 : i32
        %dma_wait3A_585 = tpu.memref_slice %arg2[%add3A_584] : memref<320000xi32, #tpu.memory_space<hbm>> -> memref<64xi32, #tpu.memory_space<hbm>>
        %dma_wait3A_586 = tpu.memref_slice %arg2[%add3A_584] : memref<320000xi32, #tpu.memory_space<hbm>> -> memref<64xi32, #tpu.memory_space<hbm>>
        tpu.wait_dma2 semaphore(%arg28 : memref<!tpu.dma_semaphore, #tpu.memory_space<semaphore_mem>>) src(%dma_wait3A_586 : memref<64xi32, #tpu.memory_space<hbm>>) dst(%arg10 : memref<64xi32, #tpu.memory_space<vmem>>)
        %dma_wait3A_587 = tpu.memref_slice %arg3[%add3A_584] : memref<320000xi32, #tpu.memory_space<hbm>> -> memref<64xi32, #tpu.memory_space<hbm>>
        %dma_wait3A_588 = tpu.memref_slice %arg3[%add3A_584] : memref<320000xi32, #tpu.memory_space<hbm>> -> memref<64xi32, #tpu.memory_space<hbm>>
        tpu.wait_dma2 semaphore(%arg28 : memref<!tpu.dma_semaphore, #tpu.memory_space<semaphore_mem>>) src(%dma_wait3A_588 : memref<64xi32, #tpu.memory_space<hbm>>) dst(%arg14 : memref<64xi32, #tpu.memory_space<vmem>>)
        %dma_start3A_589 = arith.constant 0 : i32
        %dma_start3A_590 = arith.constant 0 : i32
        %dma_start3A_591 = tpu.memref_slice %arg4[%dma_start3A_589, %dma_start3A_590] : memref<10000x128xf32, #tpu.memory_space<hbm>> -> memref<10000x128xf32, #tpu.memory_space<hbm>>
        tpu.enqueue_indirect_dma source(%dma_start3A_591 : memref<10000x128xf32, #tpu.memory_space<hbm>>) target(%arg18 : memref<64x128xf32, #tpu.memory_space<vmem>>) offsets(%arg10 : memref<64xi32, #tpu.memory_space<vmem>>) semaphore(%arg24 : memref<!tpu.dma_semaphore, #tpu.memory_space<semaphore_mem>>)
      } else {
      }
      %get3A = arith.constant 0 : index
      %get3A_459 = tpu.vector_load %arg11[%get3A] {strides = array<i32>} : memref<64xi32, #tpu.memory_space<vmem>>, vector<16xi32>,
      tpu.vector_store_idx %arg19[%get3A_459], %broadcast_in_dim3A_374 {add = true} : memref<10240xf32, #tpu.memory_space<vmem>>[vector<16xi32>], vector<16xf32>,
      %get3A_460 = arith.constant 16 : index
      %get3A_461 = tpu.vector_load %arg11[%get3A_460] {strides = array<i32>} : memref<64xi32, #tpu.memory_space<vmem>>, vector<16xi32>,
      tpu.vector_store_idx %arg19[%get3A_461], %broadcast_in_dim3A_374 {add = true} : memref<10240xf32, #tpu.memory_space<vmem>>[vector<16xi32>], vector<16xf32>,
      %get3A_462 = arith.constant 32 : index
      %get3A_463 = tpu.vector_load %arg11[%get3A_462] {strides = array<i32>} : memref<64xi32, #tpu.memory_space<vmem>>, vector<16xi32>,
      tpu.vector_store_idx %arg19[%get3A_463], %broadcast_in_dim3A_374 {add = true} : memref<10240xf32, #tpu.memory_space<vmem>>[vector<16xi32>], vector<16xf32>,
      %get3A_464 = arith.constant 48 : index
      %get3A_465 = tpu.vector_load %arg11[%get3A_464] {strides = array<i32>} : memref<64xi32, #tpu.memory_space<vmem>>, vector<16xi32>,
      tpu.vector_store_idx %arg19[%get3A_465], %broadcast_in_dim3A_374 {add = true} : memref<10240xf32, #tpu.memory_space<vmem>>[vector<16xi32>], vector<16xf32>,
      %dma_wait3A_466 = arith.constant 0 : i32
      %dma_wait3A_467 = arith.constant 0 : i32
      %dma_wait3A_468 = tpu.memref_slice %arg20[%dma_wait3A_466, %dma_wait3A_467] : memref<10240x128xf32, #tpu.memory_space<vmem_shared>> -> memref<10240x128xf32, #tpu.memory_space<vmem_shared>>
      tpu.wait_indirect_dma semaphore(%arg29 : memref<!tpu.dma_semaphore, #tpu.memory_space<semaphore_mem>>) src(%arg15 : memref<64x128xf32, #tpu.memory_space<vmem>>) dst(%dma_wait3A_468 : memref<10240x128xf32, #tpu.memory_space<vmem_shared>>)
      %add3A_469 = arith.constant 4 : i32
      %add3A_470 = arith.addi %add3A_445, %add3A_469 : i32
      %lt3A_471 = arith.constant 156 : i32
      %lt3A_472 = arith.cmpi slt, %add3A_470, %lt3A_471 : i32
      %convert_element_type3A_473 = arith.extui %lt3A_472 : i1 to i32
      %cond3A_474 = arith.constant 0 : i32
      %cond3A_475 = arith.cmpi ne, %convert_element_type3A_473, %cond3A_474 : i32
      scf.if %cond3A_475 {
        %mul3A_582 = arith.constant 64 : i32
        %mul3A_583 = arith.muli %add3A_470, %mul3A_582 : i32
        %add3A_584 = arith.addi %mul3A_373, %mul3A_583 : i32
        %dma_start3A_585 = tpu.memref_slice %arg2[%add3A_584] : memref<320000xi32, #tpu.memory_space<hbm>> -> memref<64xi32, #tpu.memory_space<hbm>>
        %dma_start3A_586 = tpu.memref_slice %arg2[%add3A_584] : memref<320000xi32, #tpu.memory_space<hbm>> -> memref<64xi32, #tpu.memory_space<hbm>>
        tpu.enqueue_dma source(%dma_start3A_586 : memref<64xi32, #tpu.memory_space<hbm>>) target(%arg7 : memref<64xi32, #tpu.memory_space<vmem>>) target_semaphore(%arg25 : memref<!tpu.dma_semaphore, #tpu.memory_space<semaphore_mem>>)
        %dma_start3A_587 = tpu.memref_slice %arg3[%add3A_584] : memref<320000xi32, #tpu.memory_space<hbm>> -> memref<64xi32, #tpu.memory_space<hbm>>
        %dma_start3A_588 = tpu.memref_slice %arg3[%add3A_584] : memref<320000xi32, #tpu.memory_space<hbm>> -> memref<64xi32, #tpu.memory_space<hbm>>
        tpu.enqueue_dma source(%dma_start3A_588 : memref<64xi32, #tpu.memory_space<hbm>>) target(%arg11 : memref<64xi32, #tpu.memory_space<vmem>>) target_semaphore(%arg25 : memref<!tpu.dma_semaphore, #tpu.memory_space<semaphore_mem>>)
      } else {
      }
      %mul3A_476 = arith.constant 4 : i32
      %mul3A_477 = arith.muli %scan3A_440, %mul3A_476 : i32
      %add3A_478 = arith.constant 1 : i32
      %add3A_479 = arith.addi %mul3A_477, %add3A_478 : i32
      %add3A_480 = arith.constant 3 : i32
      %add3A_481 = arith.addi %add3A_479, %add3A_480 : i32
      %dma_wait3A_482 = arith.constant 0 : i32
      %dma_wait3A_483 = arith.constant 0 : i32
      %dma_wait3A_484 = tpu.memref_slice %arg4[%dma_wait3A_482, %dma_wait3A_483] : memref<10000x128xf32, #tpu.memory_space<hbm>> -> memref<10000x128xf32, #tpu.memory_space<hbm>>
      tpu.wait_indirect_dma semaphore(%arg22 : memref<!tpu.dma_semaphore, #tpu.memory_space<semaphore_mem>>) src(%dma_wait3A_484 : memref<10000x128xf32, #tpu.memory_space<hbm>>) dst(%arg16 : memref<64x128xf32, #tpu.memory_space<vmem>>)
      %dma_start3A_485 = arith.constant 0 : i32
      %dma_start3A_486 = arith.constant 0 : i32
      %dma_start3A_487 = tpu.memref_slice %arg20[%dma_start3A_485, %dma_start3A_486] : memref<10240x128xf32, #tpu.memory_space<vmem_shared>> -> memref<10240x128xf32, #tpu.memory_space<vmem_shared>>
      tpu.enqueue_indirect_dma source(%arg16 : memref<64x128xf32, #tpu.memory_space<vmem>>) target(%dma_start3A_487 : memref<10240x128xf32, #tpu.memory_space<vmem_shared>>) offsets(%arg12 : memref<64xi32, #tpu.memory_space<vmem>>) semaphore(%arg29 : memref<!tpu.dma_semaphore, #tpu.memory_space<semaphore_mem>>) {add = true}
      %lt3A_488 = arith.constant 156 : i32
      %lt3A_489 = arith.cmpi slt, %add3A_481, %lt3A_488 : i32
      %convert_element_type3A_490 = arith.extui %lt3A_489 : i1 to i32
      %cond3A_491 = arith.constant 0 : i32
      %cond3A_492 = arith.cmpi ne, %convert_element_type3A_490, %cond3A_491 : i32
      scf.if %cond3A_492 {
        %mul3A_582 = arith.constant 64 : i32
        %mul3A_583 = arith.muli %add3A_481, %mul3A_582 : i32
        %add3A_584 = arith.addi %mul3A_373, %mul3A_583 : i32
        %dma_wait3A_585 = tpu.memref_slice %arg2[%add3A_584] : memref<320000xi32, #tpu.memory_space<hbm>> -> memref<64xi32, #tpu.memory_space<hbm>>
        %dma_wait3A_586 = tpu.memref_slice %arg2[%add3A_584] : memref<320000xi32, #tpu.memory_space<hbm>> -> memref<64xi32, #tpu.memory_space<hbm>>
        tpu.wait_dma2 semaphore(%arg25 : memref<!tpu.dma_semaphore, #tpu.memory_space<semaphore_mem>>) src(%dma_wait3A_586 : memref<64xi32, #tpu.memory_space<hbm>>) dst(%arg7 : memref<64xi32, #tpu.memory_space<vmem>>)
        %dma_wait3A_587 = tpu.memref_slice %arg3[%add3A_584] : memref<320000xi32, #tpu.memory_space<hbm>> -> memref<64xi32, #tpu.memory_space<hbm>>
        %dma_wait3A_588 = tpu.memref_slice %arg3[%add3A_584] : memref<320000xi32, #tpu.memory_space<hbm>> -> memref<64xi32, #tpu.memory_space<hbm>>
        tpu.wait_dma2 semaphore(%arg25 : memref<!tpu.dma_semaphore, #tpu.memory_space<semaphore_mem>>) src(%dma_wait3A_588 : memref<64xi32, #tpu.memory_space<hbm>>) dst(%arg11 : memref<64xi32, #tpu.memory_space<vmem>>)
        %dma_start3A_589 = arith.constant 0 : i32
        %dma_start3A_590 = arith.constant 0 : i32
        %dma_start3A_591 = tpu.memref_slice %arg4[%dma_start3A_589, %dma_start3A_590] : memref<10000x128xf32, #tpu.memory_space<hbm>> -> memref<10000x128xf32, #tpu.memory_space<hbm>>
        tpu.enqueue_indirect_dma source(%dma_start3A_591 : memref<10000x128xf32, #tpu.memory_space<hbm>>) target(%arg15 : memref<64x128xf32, #tpu.memory_space<vmem>>) offsets(%arg7 : memref<64xi32, #tpu.memory_space<vmem>>) semaphore(%arg21 : memref<!tpu.dma_semaphore, #tpu.memory_space<semaphore_mem>>)
      } else {
      }
      %get3A_493 = arith.constant 0 : index
      %get3A_494 = tpu.vector_load %arg12[%get3A_493] {strides = array<i32>} : memref<64xi32, #tpu.memory_space<vmem>>, vector<16xi32>,
      tpu.vector_store_idx %arg19[%get3A_494], %broadcast_in_dim3A_374 {add = true} : memref<10240xf32, #tpu.memory_space<vmem>>[vector<16xi32>], vector<16xf32>,
      %get3A_495 = arith.constant 16 : index
      %get3A_496 = tpu.vector_load %arg12[%get3A_495] {strides = array<i32>} : memref<64xi32, #tpu.memory_space<vmem>>, vector<16xi32>,
      tpu.vector_store_idx %arg19[%get3A_496], %broadcast_in_dim3A_374 {add = true} : memref<10240xf32, #tpu.memory_space<vmem>>[vector<16xi32>], vector<16xf32>,
      %get3A_497 = arith.constant 32 : index
      %get3A_498 = tpu.vector_load %arg12[%get3A_497] {strides = array<i32>} : memref<64xi32, #tpu.memory_space<vmem>>, vector<16xi32>,
      tpu.vector_store_idx %arg19[%get3A_498], %broadcast_in_dim3A_374 {add = true} : memref<10240xf32, #tpu.memory_space<vmem>>[vector<16xi32>], vector<16xf32>,
      %get3A_499 = arith.constant 48 : index
      %get3A_500 = tpu.vector_load %arg12[%get3A_499] {strides = array<i32>} : memref<64xi32, #tpu.memory_space<vmem>>, vector<16xi32>,
      tpu.vector_store_idx %arg19[%get3A_500], %broadcast_in_dim3A_374 {add = true} : memref<10240xf32, #tpu.memory_space<vmem>>[vector<16xi32>], vector<16xf32>,
      %dma_wait3A_501 = arith.constant 0 : i32
      %dma_wait3A_502 = arith.constant 0 : i32
      %dma_wait3A_503 = tpu.memref_slice %arg20[%dma_wait3A_501, %dma_wait3A_502] : memref<10240x128xf32, #tpu.memory_space<vmem_shared>> -> memref<10240x128xf32, #tpu.memory_space<vmem_shared>>
      tpu.wait_indirect_dma semaphore(%arg29 : memref<!tpu.dma_semaphore, #tpu.memory_space<semaphore_mem>>) src(%arg16 : memref<64x128xf32, #tpu.memory_space<vmem>>) dst(%dma_wait3A_503 : memref<10240x128xf32, #tpu.memory_space<vmem_shared>>)
      %add3A_504 = arith.constant 4 : i32
      %add3A_505 = arith.addi %add3A_479, %add3A_504 : i32
      %lt3A_506 = arith.constant 156 : i32
      %lt3A_507 = arith.cmpi slt, %add3A_505, %lt3A_506 : i32
      %convert_element_type3A_508 = arith.extui %lt3A_507 : i1 to i32
      %cond3A_509 = arith.constant 0 : i32
      %cond3A_510 = arith.cmpi ne, %convert_element_type3A_508, %cond3A_509 : i32
      scf.if %cond3A_510 {
        %mul3A_582 = arith.constant 64 : i32
        %mul3A_583 = arith.muli %add3A_505, %mul3A_582 : i32
        %add3A_584 = arith.addi %mul3A_373, %mul3A_583 : i32
        %dma_start3A_585 = tpu.memref_slice %arg2[%add3A_584] : memref<320000xi32, #tpu.memory_space<hbm>> -> memref<64xi32, #tpu.memory_space<hbm>>
        %dma_start3A_586 = tpu.memref_slice %arg2[%add3A_584] : memref<320000xi32, #tpu.memory_space<hbm>> -> memref<64xi32, #tpu.memory_space<hbm>>
        tpu.enqueue_dma source(%dma_start3A_586 : memref<64xi32, #tpu.memory_space<hbm>>) target(%arg8 : memref<64xi32, #tpu.memory_space<vmem>>) target_semaphore(%arg26 : memref<!tpu.dma_semaphore, #tpu.memory_space<semaphore_mem>>)
        %dma_start3A_587 = tpu.memref_slice %arg3[%add3A_584] : memref<320000xi32, #tpu.memory_space<hbm>> -> memref<64xi32, #tpu.memory_space<hbm>>
        %dma_start3A_588 = tpu.memref_slice %arg3[%add3A_584] : memref<320000xi32, #tpu.memory_space<hbm>> -> memref<64xi32, #tpu.memory_space<hbm>>
        tpu.enqueue_dma source(%dma_start3A_588 : memref<64xi32, #tpu.memory_space<hbm>>) target(%arg12 : memref<64xi32, #tpu.memory_space<vmem>>) target_semaphore(%arg26 : memref<!tpu.dma_semaphore, #tpu.memory_space<semaphore_mem>>)
      } else {
      }
      %mul3A_511 = arith.constant 4 : i32
      %mul3A_512 = arith.muli %scan3A_440, %mul3A_511 : i32
      %add3A_513 = arith.constant 2 : i32
      %add3A_514 = arith.addi %mul3A_512, %add3A_513 : i32
      %add3A_515 = arith.constant 3 : i32
      %add3A_516 = arith.addi %add3A_514, %add3A_515 : i32
      %dma_wait3A_517 = arith.constant 0 : i32
      %dma_wait3A_518 = arith.constant 0 : i32
      %dma_wait3A_519 = tpu.memref_slice %arg4[%dma_wait3A_517, %dma_wait3A_518] : memref<10000x128xf32, #tpu.memory_space<hbm>> -> memref<10000x128xf32, #tpu.memory_space<hbm>>
      tpu.wait_indirect_dma semaphore(%arg23 : memref<!tpu.dma_semaphore, #tpu.memory_space<semaphore_mem>>) src(%dma_wait3A_519 : memref<10000x128xf32, #tpu.memory_space<hbm>>) dst(%arg17 : memref<64x128xf32, #tpu.memory_space<vmem>>)
      %dma_start3A_520 = arith.constant 0 : i32
      %dma_start3A_521 = arith.constant 0 : i32
      %dma_start3A_522 = tpu.memref_slice %arg20[%dma_start3A_520, %dma_start3A_521] : memref<10240x128xf32, #tpu.memory_space<vmem_shared>> -> memref<10240x128xf32, #tpu.memory_space<vmem_shared>>
      tpu.enqueue_indirect_dma source(%arg17 : memref<64x128xf32, #tpu.memory_space<vmem>>) target(%dma_start3A_522 : memref<10240x128xf32, #tpu.memory_space<vmem_shared>>) offsets(%arg13 : memref<64xi32, #tpu.memory_space<vmem>>) semaphore(%arg29 : memref<!tpu.dma_semaphore, #tpu.memory_space<semaphore_mem>>) {add = true}
      %lt3A_523 = arith.constant 156 : i32
      %lt3A_524 = arith.cmpi slt, %add3A_516, %lt3A_523 : i32
      %convert_element_type3A_525 = arith.extui %lt3A_524 : i1 to i32
      %cond3A_526 = arith.constant 0 : i32
      %cond3A_527 = arith.cmpi ne, %convert_element_type3A_525, %cond3A_526 : i32
      scf.if %cond3A_527 {
        %mul3A_582 = arith.constant 64 : i32
        %mul3A_583 = arith.muli %add3A_516, %mul3A_582 : i32
        %add3A_584 = arith.addi %mul3A_373, %mul3A_583 : i32
        %dma_wait3A_585 = tpu.memref_slice %arg2[%add3A_584] : memref<320000xi32, #tpu.memory_space<hbm>> -> memref<64xi32, #tpu.memory_space<hbm>>
        %dma_wait3A_586 = tpu.memref_slice %arg2[%add3A_584] : memref<320000xi32, #tpu.memory_space<hbm>> -> memref<64xi32, #tpu.memory_space<hbm>>
        tpu.wait_dma2 semaphore(%arg26 : memref<!tpu.dma_semaphore, #tpu.memory_space<semaphore_mem>>) src(%dma_wait3A_586 : memref<64xi32, #tpu.memory_space<hbm>>) dst(%arg8 : memref<64xi32, #tpu.memory_space<vmem>>)
        %dma_wait3A_587 = tpu.memref_slice %arg3[%add3A_584] : memref<320000xi32, #tpu.memory_space<hbm>> -> memref<64xi32, #tpu.memory_space<hbm>>
        %dma_wait3A_588 = tpu.memref_slice %arg3[%add3A_584] : memref<320000xi32, #tpu.memory_space<hbm>> -> memref<64xi32, #tpu.memory_space<hbm>>
        tpu.wait_dma2 semaphore(%arg26 : memref<!tpu.dma_semaphore, #tpu.memory_space<semaphore_mem>>) src(%dma_wait3A_588 : memref<64xi32, #tpu.memory_space<hbm>>) dst(%arg12 : memref<64xi32, #tpu.memory_space<vmem>>)
        %dma_start3A_589 = arith.constant 0 : i32
        %dma_start3A_590 = arith.constant 0 : i32
        %dma_start3A_591 = tpu.memref_slice %arg4[%dma_start3A_589, %dma_start3A_590] : memref<10000x128xf32, #tpu.memory_space<hbm>> -> memref<10000x128xf32, #tpu.memory_space<hbm>>
        tpu.enqueue_indirect_dma source(%dma_start3A_591 : memref<10000x128xf32, #tpu.memory_space<hbm>>) target(%arg16 : memref<64x128xf32, #tpu.memory_space<vmem>>) offsets(%arg8 : memref<64xi32, #tpu.memory_space<vmem>>) semaphore(%arg22 : memref<!tpu.dma_semaphore, #tpu.memory_space<semaphore_mem>>)
      } else {
      }
      %get3A_528 = arith.constant 0 : index
      %get3A_529 = tpu.vector_load %arg13[%get3A_528] {strides = array<i32>} : memref<64xi32, #tpu.memory_space<vmem>>, vector<16xi32>,
      tpu.vector_store_idx %arg19[%get3A_529], %broadcast_in_dim3A_374 {add = true} : memref<10240xf32, #tpu.memory_space<vmem>>[vector<16xi32>], vector<16xf32>,
      %get3A_530 = arith.constant 16 : index
      %get3A_531 = tpu.vector_load %arg13[%get3A_530] {strides = array<i32>} : memref<64xi32, #tpu.memory_space<vmem>>, vector<16xi32>,
      tpu.vector_store_idx %arg19[%get3A_531], %broadcast_in_dim3A_374 {add = true} : memref<10240xf32, #tpu.memory_space<vmem>>[vector<16xi32>], vector<16xf32>,
      %get3A_532 = arith.constant 32 : index
      %get3A_533 = tpu.vector_load %arg13[%get3A_532] {strides = array<i32>} : memref<64xi32, #tpu.memory_space<vmem>>, vector<16xi32>,
      tpu.vector_store_idx %arg19[%get3A_533], %broadcast_in_dim3A_374 {add = true} : memref<10240xf32, #tpu.memory_space<vmem>>[vector<16xi32>], vector<16xf32>,
      %get3A_534 = arith.constant 48 : index
      %get3A_535 = tpu.vector_load %arg13[%get3A_534] {strides = array<i32>} : memref<64xi32, #tpu.memory_space<vmem>>, vector<16xi32>,
      tpu.vector_store_idx %arg19[%get3A_535], %broadcast_in_dim3A_374 {add = true} : memref<10240xf32, #tpu.memory_space<vmem>>[vector<16xi32>], vector<16xf32>,
      %dma_wait3A_536 = arith.constant 0 : i32
      %dma_wait3A_537 = arith.constant 0 : i32
      %dma_wait3A_538 = tpu.memref_slice %arg20[%dma_wait3A_536, %dma_wait3A_537] : memref<10240x128xf32, #tpu.memory_space<vmem_shared>> -> memref<10240x128xf32, #tpu.memory_space<vmem_shared>>
      tpu.wait_indirect_dma semaphore(%arg29 : memref<!tpu.dma_semaphore, #tpu.memory_space<semaphore_mem>>) src(%arg17 : memref<64x128xf32, #tpu.memory_space<vmem>>) dst(%dma_wait3A_538 : memref<10240x128xf32, #tpu.memory_space<vmem_shared>>)
      %add3A_539 = arith.constant 4 : i32
      %add3A_540 = arith.addi %add3A_514, %add3A_539 : i32
      %lt3A_541 = arith.constant 156 : i32
      %lt3A_542 = arith.cmpi slt, %add3A_540, %lt3A_541 : i32
      %convert_element_type3A_543 = arith.extui %lt3A_542 : i1 to i32
      %cond3A_544 = arith.constant 0 : i32
      %cond3A_545 = arith.cmpi ne, %convert_element_type3A_543, %cond3A_544 : i32
      scf.if %cond3A_545 {
        %mul3A_582 = arith.constant 64 : i32
        %mul3A_583 = arith.muli %add3A_540, %mul3A_582 : i32
        %add3A_584 = arith.addi %mul3A_373, %mul3A_583 : i32
        %dma_start3A_585 = tpu.memref_slice %arg2[%add3A_584] : memref<320000xi32, #tpu.memory_space<hbm>> -> memref<64xi32, #tpu.memory_space<hbm>>
        %dma_start3A_586 = tpu.memref_slice %arg2[%add3A_584] : memref<320000xi32, #tpu.memory_space<hbm>> -> memref<64xi32, #tpu.memory_space<hbm>>
        tpu.enqueue_dma source(%dma_start3A_586 : memref<64xi32, #tpu.memory_space<hbm>>) target(%arg9 : memref<64xi32, #tpu.memory_space<vmem>>) target_semaphore(%arg27 : memref<!tpu.dma_semaphore, #tpu.memory_space<semaphore_mem>>)
        %dma_start3A_587 = tpu.memref_slice %arg3[%add3A_584] : memref<320000xi32, #tpu.memory_space<hbm>> -> memref<64xi32, #tpu.memory_space<hbm>>
        %dma_start3A_588 = tpu.memref_slice %arg3[%add3A_584] : memref<320000xi32, #tpu.memory_space<hbm>> -> memref<64xi32, #tpu.memory_space<hbm>>
        tpu.enqueue_dma source(%dma_start3A_588 : memref<64xi32, #tpu.memory_space<hbm>>) target(%arg13 : memref<64xi32, #tpu.memory_space<vmem>>) target_semaphore(%arg27 : memref<!tpu.dma_semaphore, #tpu.memory_space<semaphore_mem>>)
      } else {
      }
      %mul3A_546 = arith.constant 4 : i32
      %mul3A_547 = arith.muli %scan3A_440, %mul3A_546 : i32
      %add3A_548 = arith.constant 3 : i32
      %add3A_549 = arith.addi %mul3A_547, %add3A_548 : i32
      %add3A_550 = arith.constant 3 : i32
      %add3A_551 = arith.addi %add3A_549, %add3A_550 : i32
      %dma_wait3A_552 = arith.constant 0 : i32
      %dma_wait3A_553 = arith.constant 0 : i32
      %dma_wait3A_554 = tpu.memref_slice %arg4[%dma_wait3A_552, %dma_wait3A_553] : memref<10000x128xf32, #tpu.memory_space<hbm>> -> memref<10000x128xf32, #tpu.memory_space<hbm>>
      tpu.wait_indirect_dma semaphore(%arg24 : memref<!tpu.dma_semaphore, #tpu.memory_space<semaphore_mem>>) src(%dma_wait3A_554 : memref<10000x128xf32, #tpu.memory_space<hbm>>) dst(%arg18 : memref<64x128xf32, #tpu.memory_space<vmem>>)
      %dma_start3A_555 = arith.constant 0 : i32
      %dma_start3A_556 = arith.constant 0 : i32
      %dma_start3A_557 = tpu.memref_slice %arg20[%dma_start3A_555, %dma_start3A_556] : memref<10240x128xf32, #tpu.memory_space<vmem_shared>> -> memref<10240x128xf32, #tpu.memory_space<vmem_shared>>
      tpu.enqueue_indirect_dma source(%arg18 : memref<64x128xf32, #tpu.memory_space<vmem>>) target(%dma_start3A_557 : memref<10240x128xf32, #tpu.memory_space<vmem_shared>>) offsets(%arg14 : memref<64xi32, #tpu.memory_space<vmem>>) semaphore(%arg29 : memref<!tpu.dma_semaphore, #tpu.memory_space<semaphore_mem>>) {add = true}
      %lt3A_558 = arith.constant 156 : i32
      %lt3A_559 = arith.cmpi slt, %add3A_551, %lt3A_558 : i32
      %convert_element_type3A_560 = arith.extui %lt3A_559 : i1 to i32
      %cond3A_561 = arith.constant 0 : i32
      %cond3A_562 = arith.cmpi ne, %convert_element_type3A_560, %cond3A_561 : i32
      scf.if %cond3A_562 {
        %mul3A_582 = arith.constant 64 : i32
        %mul3A_583 = arith.muli %add3A_551, %mul3A_582 : i32
        %add3A_584 = arith.addi %mul3A_373, %mul3A_583 : i32
        %dma_wait3A_585 = tpu.memref_slice %arg2[%add3A_584] : memref<320000xi32, #tpu.memory_space<hbm>> -> memref<64xi32, #tpu.memory_space<hbm>>
        %dma_wait3A_586 = tpu.memref_slice %arg2[%add3A_584] : memref<320000xi32, #tpu.memory_space<hbm>> -> memref<64xi32, #tpu.memory_space<hbm>>
        tpu.wait_dma2 semaphore(%arg27 : memref<!tpu.dma_semaphore, #tpu.memory_space<semaphore_mem>>) src(%dma_wait3A_586 : memref<64xi32, #tpu.memory_space<hbm>>) dst(%arg9 : memref<64xi32, #tpu.memory_space<vmem>>)
        %dma_wait3A_587 = tpu.memref_slice %arg3[%add3A_584] : memref<320000xi32, #tpu.memory_space<hbm>> -> memref<64xi32, #tpu.memory_space<hbm>>
        %dma_wait3A_588 = tpu.memref_slice %arg3[%add3A_584] : memref<320000xi32, #tpu.memory_space<hbm>> -> memref<64xi32, #tpu.memory_space<hbm>>
        tpu.wait_dma2 semaphore(%arg27 : memref<!tpu.dma_semaphore, #tpu.memory_space<semaphore_mem>>) src(%dma_wait3A_588 : memref<64xi32, #tpu.memory_space<hbm>>) dst(%arg13 : memref<64xi32, #tpu.memory_space<vmem>>)
        %dma_start3A_589 = arith.constant 0 : i32
        %dma_start3A_590 = arith.constant 0 : i32
        %dma_start3A_591 = tpu.memref_slice %arg4[%dma_start3A_589, %dma_start3A_590] : memref<10000x128xf32, #tpu.memory_space<hbm>> -> memref<10000x128xf32, #tpu.memory_space<hbm>>
        tpu.enqueue_indirect_dma source(%dma_start3A_591 : memref<10000x128xf32, #tpu.memory_space<hbm>>) target(%arg17 : memref<64x128xf32, #tpu.memory_space<vmem>>) offsets(%arg9 : memref<64xi32, #tpu.memory_space<vmem>>) semaphore(%arg23 : memref<!tpu.dma_semaphore, #tpu.memory_space<semaphore_mem>>)
      } else {
      }
      %get3A_563 = arith.constant 0 : index
      %get3A_564 = tpu.vector_load %arg14[%get3A_563] {strides = array<i32>} : memref<64xi32, #tpu.memory_space<vmem>>, vector<16xi32>,
      tpu.vector_store_idx %arg19[%get3A_564], %broadcast_in_dim3A_374 {add = true} : memref<10240xf32, #tpu.memory_space<vmem>>[vector<16xi32>], vector<16xf32>,
      %get3A_565 = arith.constant 16 : index
      %get3A_566 = tpu.vector_load %arg14[%get3A_565] {strides = array<i32>} : memref<64xi32, #tpu.memory_space<vmem>>, vector<16xi32>,
      tpu.vector_store_idx %arg19[%get3A_566], %broadcast_in_dim3A_374 {add = true} : memref<10240xf32, #tpu.memory_space<vmem>>[vector<16xi32>], vector<16xf32>,
      %get3A_567 = arith.constant 32 : index
      %get3A_568 = tpu.vector_load %arg14[%get3A_567] {strides = array<i32>} : memref<64xi32, #tpu.memory_space<vmem>>, vector<16xi32>,
      tpu.vector_store_idx %arg19[%get3A_568], %broadcast_in_dim3A_374 {add = true} : memref<10240xf32, #tpu.memory_space<vmem>>[vector<16xi32>], vector<16xf32>,
      %get3A_569 = arith.constant 48 : index
      %get3A_570 = tpu.vector_load %arg14[%get3A_569] {strides = array<i32>} : memref<64xi32, #tpu.memory_space<vmem>>, vector<16xi32>,
      tpu.vector_store_idx %arg19[%get3A_570], %broadcast_in_dim3A_374 {add = true} : memref<10240xf32, #tpu.memory_space<vmem>>[vector<16xi32>], vector<16xf32>,
      %dma_wait3A_571 = arith.constant 0 : i32
      %dma_wait3A_572 = arith.constant 0 : i32
      %dma_wait3A_573 = tpu.memref_slice %arg20[%dma_wait3A_571, %dma_wait3A_572] : memref<10240x128xf32, #tpu.memory_space<vmem_shared>> -> memref<10240x128xf32, #tpu.memory_space<vmem_shared>>
      tpu.wait_indirect_dma semaphore(%arg29 : memref<!tpu.dma_semaphore, #tpu.memory_space<semaphore_mem>>) src(%arg18 : memref<64x128xf32, #tpu.memory_space<vmem>>) dst(%dma_wait3A_573 : memref<10240x128xf32, #tpu.memory_space<vmem_shared>>)
      %add3A_574 = arith.constant 4 : i32
      %add3A_575 = arith.addi %add3A_549, %add3A_574 : i32
      %lt3A_576 = arith.constant 156 : i32
      %lt3A_577 = arith.cmpi slt, %add3A_575, %lt3A_576 : i32
      %convert_element_type3A_578 = arith.extui %lt3A_577 : i1 to i32
      %cond3A_579 = arith.constant 0 : i32
      %cond3A_580 = arith.cmpi ne, %convert_element_type3A_578, %cond3A_579 : i32
      scf.if %cond3A_580 {
        %mul3A_582 = arith.constant 64 : i32
        %mul3A_583 = arith.muli %add3A_575, %mul3A_582 : i32
        %add3A_584 = arith.addi %mul3A_373, %mul3A_583 : i32
        %dma_start3A_585 = tpu.memref_slice %arg2[%add3A_584] : memref<320000xi32, #tpu.memory_space<hbm>> -> memref<64xi32, #tpu.memory_space<hbm>>
        %dma_start3A_586 = tpu.memref_slice %arg2[%add3A_584] : memref<320000xi32, #tpu.memory_space<hbm>> -> memref<64xi32, #tpu.memory_space<hbm>>
        tpu.enqueue_dma source(%dma_start3A_586 : memref<64xi32, #tpu.memory_space<hbm>>) target(%arg10 : memref<64xi32, #tpu.memory_space<vmem>>) target_semaphore(%arg28 : memref<!tpu.dma_semaphore, #tpu.memory_space<semaphore_mem>>)
        %dma_start3A_587 = tpu.memref_slice %arg3[%add3A_584] : memref<320000xi32, #tpu.memory_space<hbm>> -> memref<64xi32, #tpu.memory_space<hbm>>
        %dma_start3A_588 = tpu.memref_slice %arg3[%add3A_584] : memref<320000xi32, #tpu.memory_space<hbm>> -> memref<64xi32, #tpu.memory_space<hbm>>
        tpu.enqueue_dma source(%dma_start3A_588 : memref<64xi32, #tpu.memory_space<hbm>>) target(%arg14 : memref<64xi32, #tpu.memory_space<vmem>>) target_semaphore(%arg28 : memref<!tpu.dma_semaphore, #tpu.memory_space<semaphore_mem>>)
      } else {
      }
      %scan3A_581 = arith.constant 0 : i32
      scf.yield %scan3A_581 : i32
    }
    %scan3A_432 = arith.constant 39 : i32
    %lt3A = arith.constant 8 : i32
    %lt3A_433 = arith.cmpi slt, %add3A, %lt3A : i32
    %convert_element_type3A = arith.extui %lt3A_433 : i1 to i32
    %cond3A = arith.constant 0 : i32
    %cond3A_434 = arith.cmpi ne, %convert_element_type3A, %cond3A : i32
    scf.if %cond3A_434 {
      %mul3A_440 = arith.constant 64 : i32
      %mul3A_441 = arith.muli %add3A, %mul3A_440 : i32
      %add3A_442 = arith.constant 319488 : i32
      %add3A_443 = arith.addi %add3A_442, %mul3A_441 : i32
      "tpu.region"() ({
        %run_scoped3A = tpu.sem_alloc : memref<!tpu.dma_semaphore, #tpu.memory_space<semaphore_mem>>
        %dma_start3A_463 = tpu.memref_slice %arg2[%add3A_443] : memref<320000xi32, #tpu.memory_space<hbm>> -> memref<64xi32, #tpu.memory_space<hbm>>
        %dma_start3A_464 = tpu.memref_slice %arg2[%add3A_443] : memref<320000xi32, #tpu.memory_space<hbm>> -> memref<64xi32, #tpu.memory_space<hbm>>
        tpu.enqueue_dma source(%dma_start3A_464 : memref<64xi32, #tpu.memory_space<hbm>>) target(%arg7 : memref<64xi32, #tpu.memory_space<vmem>>) target_semaphore(%run_scoped3A : memref<!tpu.dma_semaphore, #tpu.memory_space<semaphore_mem>>)
        %dma_wait3A_465 = tpu.memref_slice %arg2[%add3A_443] : memref<320000xi32, #tpu.memory_space<hbm>> -> memref<64xi32, #tpu.memory_space<hbm>>
        %dma_wait3A_466 = tpu.memref_slice %arg2[%add3A_443] : memref<320000xi32, #tpu.memory_space<hbm>> -> memref<64xi32, #tpu.memory_space<hbm>>
        tpu.wait_dma2 semaphore(%run_scoped3A : memref<!tpu.dma_semaphore, #tpu.memory_space<semaphore_mem>>) src(%dma_wait3A_466 : memref<64xi32, #tpu.memory_space<hbm>>) dst(%arg7 : memref<64xi32, #tpu.memory_space<vmem>>)
        tpu.yield
      }) : () -> ()
      "tpu.region"() ({
        %run_scoped3A = tpu.sem_alloc : memref<!tpu.dma_semaphore, #tpu.memory_space<semaphore_mem>>
        %dma_start3A_463 = tpu.memref_slice %arg3[%add3A_443] : memref<320000xi32, #tpu.memory_space<hbm>> -> memref<64xi32, #tpu.memory_space<hbm>>
        %dma_start3A_464 = tpu.memref_slice %arg3[%add3A_443] : memref<320000xi32, #tpu.memory_space<hbm>> -> memref<64xi32, #tpu.memory_space<hbm>>
        tpu.enqueue_dma source(%dma_start3A_464 : memref<64xi32, #tpu.memory_space<hbm>>) target(%arg11 : memref<64xi32, #tpu.memory_space<vmem>>) target_semaphore(%run_scoped3A : memref<!tpu.dma_semaphore, #tpu.memory_space<semaphore_mem>>)
        %dma_wait3A_465 = tpu.memref_slice %arg3[%add3A_443] : memref<320000xi32, #tpu.memory_space<hbm>> -> memref<64xi32, #tpu.memory_space<hbm>>
        %dma_wait3A_466 = tpu.memref_slice %arg3[%add3A_443] : memref<320000xi32, #tpu.memory_space<hbm>> -> memref<64xi32, #tpu.memory_space<hbm>>
        tpu.wait_dma2 semaphore(%run_scoped3A : memref<!tpu.dma_semaphore, #tpu.memory_space<semaphore_mem>>) src(%dma_wait3A_466 : memref<64xi32, #tpu.memory_space<hbm>>) dst(%arg11 : memref<64xi32, #tpu.memory_space<vmem>>)
        tpu.yield
      }) : () -> ()
      %dma_start3A_444 = arith.constant 0 : i32
      %dma_start3A_445 = arith.constant 0 : i32
      %dma_start3A_446 = tpu.memref_slice %arg4[%dma_start3A_444, %dma_start3A_445] : memref<10000x128xf32, #tpu.memory_space<hbm>> -> memref<10000x128xf32, #tpu.memory_space<hbm>>
      tpu.enqueue_indirect_dma source(%dma_start3A_446 : memref<10000x128xf32, #tpu.memory_space<hbm>>) target(%arg15 : memref<64x128xf32, #tpu.memory_space<vmem>>) offsets(%arg7 : memref<64xi32, #tpu.memory_space<vmem>>) semaphore(%arg21 : memref<!tpu.dma_semaphore, #tpu.memory_space<semaphore_mem>>)
      %dma_wait3A_447 = arith.constant 0 : i32
      %dma_wait3A_448 = arith.constant 0 : i32
      %dma_wait3A_449 = tpu.memref_slice %arg4[%dma_wait3A_447, %dma_wait3A_448] : memref<10000x128xf32, #tpu.memory_space<hbm>> -> memref<10000x128xf32, #tpu.memory_space<hbm>>
      tpu.wait_indirect_dma semaphore(%arg21 : memref<!tpu.dma_semaphore, #tpu.memory_space<semaphore_mem>>) src(%dma_wait3A_449 : memref<10000x128xf32, #tpu.memory_space<hbm>>) dst(%arg15 : memref<64x128xf32, #tpu.memory_space<vmem>>)
      %dma_start3A_450 = arith.constant 0 : i32
      %dma_start3A_451 = arith.constant 0 : i32
      %dma_start3A_452 = tpu.memref_slice %arg20[%dma_start3A_450, %dma_start3A_451] : memref<10240x128xf32, #tpu.memory_space<vmem_shared>> -> memref<10240x128xf32, #tpu.memory_space<vmem_shared>>
      tpu.enqueue_indirect_dma source(%arg15 : memref<64x128xf32, #tpu.memory_space<vmem>>) target(%dma_start3A_452 : memref<10240x128xf32, #tpu.memory_space<vmem_shared>>) offsets(%arg11 : memref<64xi32, #tpu.memory_space<vmem>>) semaphore(%arg29 : memref<!tpu.dma_semaphore, #tpu.memory_space<semaphore_mem>>) {add = true}
      %get3A = arith.constant 0 : index
      %get3A_453 = tpu.vector_load %arg11[%get3A] {strides = array<i32>} : memref<64xi32, #tpu.memory_space<vmem>>, vector<16xi32>,
      tpu.vector_store_idx %arg19[%get3A_453], %broadcast_in_dim3A_374 {add = true} : memref<10240xf32, #tpu.memory_space<vmem>>[vector<16xi32>], vector<16xf32>,
      %get3A_454 = arith.constant 16 : index
      %get3A_455 = tpu.vector_load %arg11[%get3A_454] {strides = array<i32>} : memref<64xi32, #tpu.memory_space<vmem>>, vector<16xi32>,
      tpu.vector_store_idx %arg19[%get3A_455], %broadcast_in_dim3A_374 {add = true} : memref<10240xf32, #tpu.memory_space<vmem>>[vector<16xi32>], vector<16xf32>,
      %get3A_456 = arith.constant 32 : index
      %get3A_457 = tpu.vector_load %arg11[%get3A_456] {strides = array<i32>} : memref<64xi32, #tpu.memory_space<vmem>>, vector<16xi32>,
      tpu.vector_store_idx %arg19[%get3A_457], %broadcast_in_dim3A_374 {add = true} : memref<10240xf32, #tpu.memory_space<vmem>>[vector<16xi32>], vector<16xf32>,
      %get3A_458 = arith.constant 48 : index
      %get3A_459 = tpu.vector_load %arg11[%get3A_458] {strides = array<i32>} : memref<64xi32, #tpu.memory_space<vmem>>, vector<16xi32>,
      tpu.vector_store_idx %arg19[%get3A_459], %broadcast_in_dim3A_374 {add = true} : memref<10240xf32, #tpu.memory_space<vmem>>[vector<16xi32>], vector<16xf32>,
      %dma_wait3A_460 = arith.constant 0 : i32
      %dma_wait3A_461 = arith.constant 0 : i32
      %dma_wait3A_462 = tpu.memref_slice %arg20[%dma_wait3A_460, %dma_wait3A_461] : memref<10240x128xf32, #tpu.memory_space<vmem_shared>> -> memref<10240x128xf32, #tpu.memory_space<vmem_shared>>
      tpu.wait_indirect_dma semaphore(%arg29 : memref<!tpu.dma_semaphore, #tpu.memory_space<semaphore_mem>>) src(%arg15 : memref<64x128xf32, #tpu.memory_space<vmem>>) dst(%dma_wait3A_462 : memref<10240x128xf32, #tpu.memory_space<vmem_shared>>)
    } else {
    }
    %barrier3A_435 = arith.constant 0 : index
    tpu.barrier barrier_id(%barrier3A_435)
    "tpu.region"() ({
      %run_scoped3A = tpu.sem_alloc : memref<!tpu.dma_semaphore, #tpu.memory_space<semaphore_mem>>
      %dma_start3A_440 = arith.constant 0 : i32
      %dma_start3A_441 = tpu.memref_slice %arg6[%add3A, %dma_start3A_440] : memref<32x10240xf32, #tpu.memory_space<hbm>> -> memref<1x10240xf32, #tpu.memory_space<hbm>>
      %dma_start3A_442 = tpu.memref_squeeze %dma_start3A_441 : memref<1x10240xf32, #tpu.memory_space<hbm>> -> memref<10240xf32, #tpu.memory_space<hbm>>
      %dma_start3A_443 = arith.constant 0 : i32
      %dma_start3A_444 = tpu.memref_slice %arg6[%add3A, %dma_start3A_443] : memref<32x10240xf32, #tpu.memory_space<hbm>> -> memref<1x10240xf32, #tpu.memory_space<hbm>>
      %dma_start3A_445 = tpu.memref_squeeze %dma_start3A_444 : memref<1x10240xf32, #tpu.memory_space<hbm>> -> memref<10240xf32, #tpu.memory_space<hbm>>
      tpu.enqueue_dma source(%arg19 : memref<10240xf32, #tpu.memory_space<vmem>>) target(%dma_start3A_445 : memref<10240xf32, #tpu.memory_space<hbm>>) target_semaphore(%run_scoped3A : memref<!tpu.dma_semaphore, #tpu.memory_space<semaphore_mem>>)
      %dma_wait3A_446 = arith.constant 0 : i32
      %dma_wait3A_447 = tpu.memref_slice %arg6[%add3A, %dma_wait3A_446] : memref<32x10240xf32, #tpu.memory_space<hbm>> -> memref<1x10240xf32, #tpu.memory_space<hbm>>
      %dma_wait3A_448 = tpu.memref_squeeze %dma_wait3A_447 : memref<1x10240xf32, #tpu.memory_space<hbm>> -> memref<10240xf32, #tpu.memory_space<hbm>>
      %dma_wait3A_449 = arith.constant 0 : i32
      %dma_wait3A_450 = tpu.memref_slice %arg6[%add3A, %dma_wait3A_449] : memref<32x10240xf32, #tpu.memory_space<hbm>> -> memref<1x10240xf32, #tpu.memory_space<hbm>>
      %dma_wait3A_451 = tpu.memref_squeeze %dma_wait3A_450 : memref<1x10240xf32, #tpu.memory_space<hbm>> -> memref<10240xf32, #tpu.memory_space<hbm>>
      tpu.wait_dma2 semaphore(%run_scoped3A : memref<!tpu.dma_semaphore, #tpu.memory_space<semaphore_mem>>) src(%arg19 : memref<10240xf32, #tpu.memory_space<vmem>>) dst(%dma_wait3A_451 : memref<10240xf32, #tpu.memory_space<hbm>>)
      tpu.yield
    }) : () -> ()
    %eq3A = arith.constant 0 : i32
    %eq3A_436 = arith.cmpi eq, %arg1, %eq3A : i32
    %convert_element_type3A_437 = arith.extui %eq3A_436 : i1 to i32
    %cond3A_438 = arith.constant 0 : i32
    %cond3A_439 = arith.cmpi ne, %convert_element_type3A_437, %cond3A_438 : i32
    scf.if %cond3A_439 {
      %mul3A_440 = arith.constant 10240 : i32
      %mul3A_441 = arith.muli %arg0, %mul3A_440 : i32
      "tpu.region"() ({
        %run_scoped3A = tpu.sem_alloc : memref<!tpu.dma_semaphore, #tpu.memory_space<semaphore_mem>>
        %dma_start3A_442 = arith.constant 0 : i32
        %dma_start3A_443 = tpu.memref_slice %arg5[%mul3A_441, %dma_start3A_442] : memref<20480x128xf32, #tpu.memory_space<hbm>> -> memref<10240x128xf32, #tpu.memory_space<hbm>>
        tpu.enqueue_dma source(%arg20 : memref<10240x128xf32, #tpu.memory_space<vmem_shared>>) target(%dma_start3A_443 : memref<10240x128xf32, #tpu.memory_space<hbm>>) target_semaphore(%run_scoped3A : memref<!tpu.dma_semaphore, #tpu.memory_space<semaphore_mem>>)
        %dma_wait3A_444 = arith.constant 0 : i32
        %dma_wait3A_445 = tpu.memref_slice %arg5[%mul3A_441, %dma_wait3A_444] : memref<20480x128xf32, #tpu.memory_space<hbm>> -> memref<10240x128xf32, #tpu.memory_space<hbm>>
        tpu.wait_dma2 semaphore(%run_scoped3A : memref<!tpu.dma_semaphore, #tpu.memory_space<semaphore_mem>>) src(%arg20 : memref<10240x128xf32, #tpu.memory_space<vmem_shared>>) dst(%dma_wait3A_445 : memref<10240x128xf32, #tpu.memory_space<hbm>>)
        tpu.yield
      }) : () -> ()
    } else {
    }
    return
  }
}

module attributes {stable_mosaic.version = 14 : i64} {
  func.func @_tc_body(%arg0: i32, %arg1: memref<1000x128xf32, #tpu.memory_space<vmem>>, %arg2: memref<2x1000x128xf32, #tpu.memory_space<vmem>>, %arg3: memref<1000x32xf32, #tpu.memory_space<vmem>>, %arg4: memref<128x128xf32, #tpu.memory_space<vmem>>, %arg5: memref<128x128xf32, #tpu.memory_space<vmem>>, %arg6: memref<1x128xf32, #tpu.memory_space<vmem>>, %arg7: memref<1000x128xf32, #tpu.memory_space<vmem>>) attributes {dimension_semantics = [#tpu.dimension_semantics<arbitrary>], iteration_bounds = array<i64: 10>, scalar_prefetch = 0 : i64, scratch_operands = 0 : i64, tpu.core_type = #tpu.core_type<tc>, window_params = [{transform_indices = @transform_0, window_bounds = array<i64: 1000, 128>}, {transform_indices = @transform_1, window_bounds = array<i64: 2, 1000, 128>}, {transform_indices = @transform_2, window_bounds = array<i64: 1000, 32>}, {pipeline_mode = #tpu.pipeline_mode<synchronous>, transform_indices = @transform_3, window_bounds = array<i64: 128, 128>}, {pipeline_mode = #tpu.pipeline_mode<synchronous>, transform_indices = @transform_4, window_bounds = array<i64: 128, 128>}, {pipeline_mode = #tpu.pipeline_mode<synchronous>, transform_indices = @transform_5, window_bounds = array<i64: 1, 128>}, {transform_indices = @transform_6, window_bounds = array<i64: 1000, 128>}]} {
    %get3A = arith.constant 0 : index
    %get3A_0 = arith.constant 0 : index
    %get3A_1 = vector.load %arg3[%get3A, %get3A_0] : memref<1000x32xf32, #tpu.memory_space<vmem>>, vector<1000x32xf32>
    %reduce_sum3A = arith.constant dense<0.000000e+00> : vector<1000xf32>
    %reduce_sum3A_2 = vector.multi_reduction <add>, %get3A_1, %reduce_sum3A [1] : vector<1000x32xf32> to vector<1000xf32>
    %broadcast_in_dim3A = vector.shape_cast %reduce_sum3A_2 : vector<1000xf32> to vector<1000x1xf32>
    %gt3A = arith.constant 0.000000e+00 : f32
    %gt3A_3 = vector.broadcast %gt3A : f32 to vector<1000x1xf32>
    %gt3A_4 = arith.cmpf ogt, %broadcast_in_dim3A, %gt3A_3 : vector<1000x1xf32>
    %max3A = arith.constant 1.000000e+00 : f32
    %max3A_5 = vector.broadcast %max3A : f32 to vector<1000x1xf32>
    %max3A_6 = arith.maximumf %broadcast_in_dim3A, %max3A_5 : vector<1000x1xf32>
    %div3A = arith.constant 1.000000e+00 : f32
    %div3A_7 = vector.broadcast %div3A : f32 to vector<1000x1xf32>
    %div3A_8 = arith.divf %div3A_7, %max3A_6 : vector<1000x1xf32>
    %jit3A = arith.constant 0.000000e+00 : f32
    %broadcast_in_dim3A_9 = vector.broadcast %jit3A : f32 to vector<1000x1xf32>
    %select_n3A = arith.select %gt3A_4, %div3A_8, %broadcast_in_dim3A_9 : vector<1000x1xi1>, vector<1000x1xf32>
    %get3A_10 = arith.constant 0 : index
    %get3A_11 = arith.constant 0 : index
    %get3A_12 = arith.constant 0 : index
    %get3A_13 = vector.load %arg2[%get3A_10, %get3A_11, %get3A_12] : memref<2x1000x128xf32, #tpu.memory_space<vmem>>, vector<1x1000x128xf32>
    %get3A_14 = vector.shape_cast %get3A_13 : vector<1x1000x128xf32> to vector<1000x128xf32>
    %get3A_15 = arith.constant 1 : index
    %get3A_16 = arith.constant 0 : index
    %get3A_17 = arith.constant 0 : index
    %get3A_18 = vector.load %arg2[%get3A_15, %get3A_16, %get3A_17] : memref<2x1000x128xf32, #tpu.memory_space<vmem>>, vector<1x1000x128xf32>
    %get3A_19 = vector.shape_cast %get3A_18 : vector<1x1000x128xf32> to vector<1000x128xf32>
    %add3A = arith.addf %get3A_14, %get3A_19 : vector<1000x128xf32>
    %mul3A = vector.broadcast %select_n3A : vector<1000x1xf32> to vector<1000x128xf32>
    %mul3A_20 = arith.mulf %add3A, %mul3A : vector<1000x128xf32>
    %get3A_21 = arith.constant 0 : index
    %get3A_22 = arith.constant 0 : index
    %get3A_23 = vector.load %arg1[%get3A_21, %get3A_22] : memref<1000x128xf32, #tpu.memory_space<vmem>>, vector<1000x128xf32>
    %get3A_24 = arith.constant 0 : index
    %get3A_25 = arith.constant 0 : index
    %get3A_26 = vector.load %arg5[%get3A_24, %get3A_25] : memref<128x128xf32, #tpu.memory_space<vmem>>, vector<128x128xf32>
    %dot_general3A = arith.constant dense<0.000000e+00> : vector<1000x128xf32>
    %dot_general3A_27 = tpu.matmul %get3A_23, %get3A_26, %dot_general3A {dimension_numbers = #tpu.dot_dimension_numbers<[1], [0], [0], [1], [0, 0, 1, 1], [], []>, precision = #tpu.contract_precision<fp32>, transpose_lhs_hint = false} : vector<1000x128xf32>, vector<128x128xf32>, vector<1000x128xf32> -> vector<1000x128xf32>
    %get3A_28 = arith.constant 0 : index
    %get3A_29 = arith.constant 0 : index
    %get3A_30 = vector.load %arg6[%get3A_28, %get3A_29] : memref<1x128xf32, #tpu.memory_space<vmem>>, vector<1x128xf32>
    %add3A_31 = vector.broadcast %get3A_30 : vector<1x128xf32> to vector<1000x128xf32>
    %add3A_32 = arith.addf %dot_general3A_27, %add3A_31 : vector<1000x128xf32>
    %get3A_33 = arith.constant 0 : index
    %get3A_34 = arith.constant 0 : index
    %get3A_35 = vector.load %arg4[%get3A_33, %get3A_34] : memref<128x128xf32, #tpu.memory_space<vmem>>, vector<128x128xf32>
    %dot_general3A_36 = arith.constant dense<0.000000e+00> : vector<1000x128xf32>
    %dot_general3A_37 = tpu.matmul %mul3A_20, %get3A_35, %dot_general3A_36 {dimension_numbers = #tpu.dot_dimension_numbers<[1], [0], [0], [1], [0, 0, 1, 1], [], []>, precision = #tpu.contract_precision<fp32>, transpose_lhs_hint = false} : vector<1000x128xf32>, vector<128x128xf32>, vector<1000x128xf32> -> vector<1000x128xf32>
    %add3A_38 = arith.addf %add3A_32, %dot_general3A_37 : vector<1000x128xf32>
    %swap3A = arith.constant 0 : index
    %swap3A_39 = arith.constant 0 : index
    %swap3A_40 = vector.load %arg7[%swap3A, %swap3A_39] : memref<1000x128xf32, #tpu.memory_space<vmem>>, vector<1000x128xf32>
    tpu.vector_store %arg7[%swap3A, %swap3A_39], %add3A_38 {strides = array<i32>} : memref<1000x128xf32, #tpu.memory_space<vmem>>, vector<1000x128xf32>,
    return
  }
  func.func @transform_0(%arg0: i32) -> (i32, i32) {
    %c0_i32 = arith.constant 0 : i32
    %c0_i32_0 = arith.constant 0 : i32
    return %arg0, %c0_i32 : i32, i32
  }
  func.func @transform_1(%arg0: i32) -> (i32, i32, i32) {
    %c0_i32 = arith.constant 0 : i32
    %c0_i32_0 = arith.constant 0 : i32
    %c0_i32_1 = arith.constant 0 : i32
    return %c0_i32, %arg0, %c0_i32_0 : i32, i32, i32
  }
  func.func @transform_2(%arg0: i32) -> (i32, i32) {
    %c0_i32 = arith.constant 0 : i32
    %c0_i32_0 = arith.constant 0 : i32
    return %arg0, %c0_i32 : i32, i32
  }
  func.func @transform_3(%arg0: i32) -> (i32, i32) {
    %c0_i32 = arith.constant 0 : i32
    %c0_i32_0 = arith.constant 0 : i32
    %c0_i32_1 = arith.constant 0 : i32
    return %c0_i32, %c0_i32_0 : i32, i32
  }
  func.func @transform_4(%arg0: i32) -> (i32, i32) {
    %c0_i32 = arith.constant 0 : i32
    %c0_i32_0 = arith.constant 0 : i32
    %c0_i32_1 = arith.constant 0 : i32
    return %c0_i32, %c0_i32_0 : i32, i32
  }
  func.func @transform_5(%arg0: i32) -> (i32, i32) {
    %c0_i32 = arith.constant 0 : i32
    %c0_i32_0 = arith.constant 0 : i32
    %c0_i32_1 = arith.constant 0 : i32
    return %c0_i32, %c0_i32_0 : i32, i32
  }
  func.func @transform_6(%arg0: i32) -> (i32, i32) {
    %c0_i32 = arith.constant 0 : i32
    %c0_i32_0 = arith.constant 0 : i32
    return %arg0, %c0_i32 : i32, i32
  }
}

</mosaic_0001>

<sc_bundles>
// kernel: kernel.4.cloned.1.call-start
scs
__scs_entry_jumppad:
0x0: {  	(pc) =	sbr.rel $0x88, $3  }
0x1: {  	(tag) =	ssettag $0x0;
	lr =	simm.s32 $0x1  }
0x2: {  	[smem:$0x3F9C] =	sst lr;
	_ =	strace $0xD0000000  }
0x3: {  	_ = 	snop  }
0x4: {  	_ = 	snop  }
0x5: {  	_ = 	snop  }
0x6: {  	_ = 	snop  }
0x7: {  	_ = 	snop  }
__scs_overlays_trampoline_lowered:
0x8: {  	[smem:$0x3FAB] =	sst s0  }
0x9: {  	[smem:$0x3FAC] =	sst s1  }
0xa: {  	[smem:$0x3FAD] =	sst s2  }
0xb: {  	[smem:$0x3FAE] =	sst s3  }
0xc: {  	[smem:$0x3FAF] =	sst s4  }
0xd: {  	[smem:$0x3FB0] =	sst s5  }
0xe: {  	[smem:$0x3FB1] =	sst s6  }
0xf: {  	[smem:$0x3FB2] =	sst s7  }
0x10: {  	[smem:$0x3FB3] =	sst s8  }
0x11: {  	[smem:$0x3FB4] =	sst s9;
	s0 =	simm.s32 @!p0 $0x0  }
0x12: {  	s1 =	sld [smem:$0x3F9A];
	s0 =	simm.s32 @p0 $0x1  }
0x13: {  	[smem:$0x3FB5] =	sst s0;
	s0 =	simm.s32 @!p1 $0x0  }
0x14: {  	s2 =	sld [smem:$0x3F99];
	s0 =	simm.s32 @p1 $0x1  }
0x15: {  	[smem:$0x3FB6] =	sst s0;
	s0 =	simm.s32 @!p2 $0x0  }
0x16: {  	s3 =	sld [smem:$0x3FDB];
	s0 =	simm.s32 @p2 $0x1  }
0x17: {  	s4 =	simm.s32 $0x1BF5;
	[smem:$0x3FB8] =	sst s0  }
0x18: {  	s0 =	sld [smem:$0x3F9B];
	_ =	swait.ge [sflag:s4], $0x0  }
0x19: {  	s7 =	sld [smem:$0x3F9C]  }
0x1a: {  	s8 =	sadd.s32 $0xFFFFE003, lr  }
0x1b: {  	s9 =	sadd.s32 $0xFFFFFEF7, lr;
	s5 =	simm.s32 $0xFFFFFFFF;
	p2 =	slt.u32 s8, $0xFFFFF086  }
0x1c: {  	p1 =	slt.u32 s9, $0xF7A;
	s5 =	simm.s32 @!p2 $0x0  }
0x1d: {  	s5 =	simm.s32 @p1 $0x1;
	p0 =	seq.s32 s7, s2  }
0x1e: {  	s7 =	smul.u32 @!p0 $0xF7A, s2;
	p2 =	seq.s32 @!p0 s5, $0x0  }
0x1f: {  	s9 =	smul.u32 $0xF7A, s1;
	s8 =	simm.s32 @!p0 $0x1BF5;
	p2 =	por !p2, p0  }
0x20: {  	[sflag:s8] =	ssyncset.s32 @!p0 $0xFFFFF086;
	s6 =	sadd.s32 @!p0 s3, s7;
	s7 =	simm.s32 @!p0 $0x108  }
0x21: {  	s3 =	sadd.s32 s3, s9;
	s6 =	sadd.s32 @!p0 $0x88, s6;
	s7 =	simm.s32 @p2 $0x1082  }
0x22: {  	[simem:s7], [sflag:s8] =	dma.local @!p0 [hbm:s6], $0xF7A  }
0x23: {  	s9 =	sor.u32 $0xD0000000, s2;
	s6 =	simm.s32 $0x108;
	_ =	swait.ge @!p0 [sflag:s8], $0x0  }
0x24: {  	s3 =	sadd.s32 $0x88, s3;
	s6 =	simm.s32 @!p1 $0x1082;
	[sflag:s4] =	ssyncset.s32 $0xFFFFF086  }
0x25: {  	[simem:s6], [sflag:s4] =	dma.local [hbm:s3], $0xF7A  }
0x26: {  	[smem:$0x3F9C] =	sst s1;
	(tag) =	ssettag s2;
	_ =	strace s9  }
0x27: {  	s1 =	sld [smem:$0x3FAC]  }
0x28: {  	s2 =	sld [smem:$0x3FAD]  }
0x29: {  	s4 =	sld [smem:$0x3FAF]  }
0x2a: {  	p0 =	seq.s32 s5, $0x0;
	s5 =	sld [smem:$0x3FB0]  }
0x2b: {  	s6 =	sld [smem:$0x3FB1]  }
0x2c: {  	s7 =	sld [smem:$0x3FB2]  }
0x2d: {  	s3 =	simm.s32 $0x108;
	s8 =	sld [smem:$0x3FB3]  }
0x2e: {  	s3 =	simm.s32 @!p0 $0x1082;
	s9 =	sld [smem:$0x3FB4]  }
0x2f: {  	lr =	sadd.s32 s0, s3;
	s0 =	sld [smem:$0x3FAB]  }
0x30: {  	s3 =	sld [smem:$0x3FAE]  }
0x31: {  	[smem:$0x3FB7] =	sst s10  }
0x32: {  	s10 =	sld [smem:$0x3FB5];
	_ =	sdelay $0x3  }
0x33: {  	p0 =	seq.s32 s10, $0x1;
	s10 =	sld [smem:$0x3FB7];
	_ =	sdelay $0x3  }
0x34: {  	[smem:$0x3FB7] =	sst s10  }
0x35: {  	s10 =	sld [smem:$0x3FB6];
	_ =	sdelay $0x3  }
0x36: {  	p1 =	seq.s32 s10, $0x1;
	s10 =	sld [smem:$0x3FB7];
	_ =	sdelay $0x3  }
0x37: {  	[smem:$0x3FB7] =	sst s10  }
0x38: {  	s10 =	sld [smem:$0x3FB8]  }
0x39: {  	_ = 	snop;
	(pc) =	sbr.ind lr, $3  }
0x3a: {  	_ = 	snop  }
0x3b: {  	_ = 	snop  }
0x3c: {  	p2 =	seq.s32 s10, $0x1;
	s10 =	sld [smem:$0x3FB7]  }
0x3d: {  	_ =	shalt  }
0x3e: {  	_ =	shalt  }
0x3f: {  	_ =	shalt  }
0x40: {  	_ =	shalt  }
0x41: {  	_ =	shalt  }
0x42: {  	_ =	shalt  }
0x43: {  	_ =	shalt  }
0x44: {  	_ =	shalt  }
0x45: {  	_ =	shalt  }
0x46: {  	_ =	shalt  }
0x47: {  	_ =	shalt  }
0x48: {  	_ =	shalt  }
0x49: {  	_ =	shalt  }
0x4a: {  	_ =	shalt  }
0x4b: {  	_ =	shalt  }
0x4c: {  	_ =	shalt  }
0x4d: {  	_ =	shalt  }
0x4e: {  	_ =	shalt  }
0x4f: {  	_ =	shalt  }
0x50: {  	_ =	shalt  }
0x51: {  	_ =	shalt  }
0x52: {  	_ =	shalt  }
0x53: {  	_ =	shalt  }
0x54: {  	_ =	shalt  }
0x55: {  	_ =	shalt  }
0x56: {  	_ =	shalt  }
0x57: {  	_ =	shalt  }
0x58: {  	_ =	shalt  }
0x59: {  	_ =	shalt  }
0x5a: {  	_ =	shalt  }
0x5b: {  	_ =	shalt  }
0x5c: {  	_ =	shalt  }
0x5d: {  	_ =	shalt  }
0x5e: {  	_ =	shalt  }
0x5f: {  	_ =	shalt  }
0x60: {  	_ =	shalt  }
0x61: {  	_ =	shalt  }
0x62: {  	_ =	shalt  }
0x63: {  	_ =	shalt  }
0x64: {  	_ =	shalt  }
0x65: {  	_ =	shalt  }
0x66: {  	_ =	shalt  }
0x67: {  	_ =	shalt  }
0x68: {  	_ =	shalt  }
0x69: {  	_ =	shalt  }
0x6a: {  	_ =	shalt  }
0x6b: {  	_ =	shalt  }
0x6c: {  	_ =	shalt  }
0x6d: {  	_ =	shalt  }
0x6e: {  	_ =	shalt  }
0x6f: {  	_ =	shalt  }
0x70: {  	_ =	shalt  }
0x71: {  	_ =	shalt  }
0x72: {  	_ =	shalt  }
0x73: {  	_ =	shalt  }
0x74: {  	_ =	shalt  }
0x75: {  	_ =	shalt  }
0x76: {  	_ =	shalt  }
0x77: {  	_ =	shalt  }
0x78: {  	_ =	shalt  }
0x79: {  	_ =	shalt  }
0x7a: {  	_ =	shalt  }
0x7b: {  	_ =	shalt  }
0x7c: {  	_ =	shalt  }
0x7d: {  	_ =	shalt  }
0x7e: {  	_ =	shalt  }
0x7f: {  	_ =	shalt  }
0x80: {  	_ =	shalt  }
0x81: {  	_ =	shalt  }
0x82: {  	_ =	shalt  }
0x83: {  	_ =	shalt  }
0x84: {  	_ =	shalt  }
0x85: {  	_ =	shalt  }
0x86: {  	_ =	shalt  }
0x87: {  	_ =	shalt  }
.Lfunc_end0:
.L_simem_size_0:
called_computation_lowered:
.L_overlay_start_0:
0x88: {  	s2 =	sld [smem:$0x3FD9]  }
0x89: {  	s3 =	sld [smem:$0x3FFE];
	_ =	sdelay $0x1  }
0x8a: {  	s1 =	srdreg.scid  }
0x8b: {  	s0 =	sand.u32 $0x1, s1  }
0x8c: {  	s17 =	sshll.u32 s0, $0xA;
	s2 =	sadd.s32 s3, s2  }
0x8d: {  	s2 =	sadd.s32 s2, s17  }
0x8e: {  	[smem:$0x3FC3] =	sst s2  }
0x8f: {  	_ = 	snop  }
0x90: {  	s2 =	sld [smem:$0x3FC9]  }
0x91: {  	s18 =	sld [smem:$0x3FD0];
	(tm) =	ssettm $0x1  }
0x92: {  	s4 =	sld [smem:$0x3FFB];
	_ =	sdelay $0x3  }
0x93: {  	_ =	strace s4  }
0x94: {  	s4 =	sld [smem:$0x3FFC];
	_ =	sdelay $0x3  }
0x95: {  	_ =	strace s4  }
0x96: {  	s4 =	sld [smem:$0x3FFD];
	_ =	sdelay $0x3  }
0x97: {  	_ =	strace s4  }
0x98: {  	_ =	strace $0x8FFFFFFF  }
0x99: {  	s19 =	sld [smem:$0x3FDB];
	_ =	sdelay $0x1  }
0x9a: {  	s5 =	simm.s32 $_scs_section_size  }
0x9b: {  	s6 =	simm.s32 $_size__tile_overlayer_lowered;
	s7 =	simm.s32 $_tile_overlayer_lowered  }
0x9c: {  	s22 =	simm.s32 $0x1BFF;
	s21 =	sshll.u32 s7, $0x1;
	s4 =	sadd.s32 s5, s19  }
0x9d: {  	s8 =	simm.s32 $0x0;
	s20 =	sshll.u32 s6, $0x1;
	s6 =	sadd.s32 s21, s4  }
0x9e: {  	[timem:s8], [sflag:s22] =	dma.local [hbm:s6], s20  }
0x9f: {  	_ =	swait.ge [sflag:s22], s20  }
0xa0: {  	s5 =	ssub.s32 $0x0, s20;
	[sflag:s22] =	ssyncset.done $0x0  }
0xa1: {  	[sflag:s22] =	ssyncadd.s32 s5;
	_ =	sdelay $0x1  }
0xa2: {  	s23 =	simm.s32 $0x1B8B  }
0xa3: {  	_ =	swait.ge [sflag:s23], $0x1  }
0xa4: {  	[sflag:s23] =	ssyncset.done $0x0  }
0xa5: {  	s25 =	simm.s32 $0x1B8E;
	s24 =	sld [smem:$0x3FFE];
	[sflag:s23] =	ssyncadd.s32 $0xFFFFFFFF  }
0xa6: {  	s26 =	simm.s32 $execute0_lowered;
	[smem:$0x3FD2] =	sst s25  }
0xa7: {  	s6 =	sshll.u32 s26, $0x1;
	_ =	strace $0x80000046;
	[dreg:$0x1] =	wrdreg $0xFFFFFFFF  }
0xa8: {  	s28 =	simm.s32 $_size_execute0_lowered;
	s4 =	sadd.s32 s4, s6;
	[dreg:$0x0] =	wrdreg $0x0  }
0xa9: {  	s6 =	sshll.u32 s28, $0x1;
	[dreg:$0x2] =	wrdreg s4  }
0xaa: {  	[dreg:$0x3] =	wrdreg s6  }
0xab: {  	[dreg:$0x4] =	wrdreg $0xC0  }
0xac: {  	_ =	task [dreg:s8], $0x5FFFF  }
0xad: {  	[dreg:$0x1] =	wrdreg $0xFFFFFFFF  }
0xae: {  	[dreg:$0x0] =	wrdreg $0x60  }
0xaf: {  	[dreg:$0x2] =	wrdreg s24  }
0xb0: {  	[dreg:$0x3] =	wrdreg s2  }
0xb1: {  	[dreg:$0x4] =	wrdreg s18  }
0xb2: {  	[dreg:$0x5] =	wrdreg $0xAC000  }
0xb3: {  	[dreg:$0x6] =	wrdreg $0x9  }
0xb4: {  	_ =	task.clear_ibuf [dreg:s8], $0x7FFFF;
	_ =	strace $0x90000046  }
0xb5: {  	s29 =	simm.s32 $0x9;
	_ =	strace $0x80000048  }
0xb6: {  	_ =	swait.ge [sflag:s29], $0x1  }
0xb7: {  	[sflag:s29] =	ssyncadd.s32 $0xFFFFFFFF  }
0xb8: {  	_ =	strace $0x90000048  }
0xb9: {  	_ =	sfence  }
0xba: {  	s30 =	sld [smem:$0x0];
	_ =	sdelay $0x2  }
0xbb: {  	s31 =	sshll.u32 s1, $0xD;
	s1 =	sshrl.u32 s1, $0x2  }
0xbc: {  	s3 =	sand.u32 $0x4000, s31;
	s1 =	sadd.s32 s1, s30  }
0xbd: {  	s0 =	sor.u32 s3, s0;
	s1 =	sshll.u32 s1, $0x11  }
0xbe: {  	s0 =	sor.u32 s1, s0  }
0xbf: {  	s0 =	sadd.s32 $0x8F2B, s0  }
0xc0: {  	[sflag:s0] =	ssyncadd.remote.s32 $0x1  }
0xc1: {  	_ =	sfence.sel $0xFFFF  }
0xc2: {  	[dreg:$0x0] =	wrdreg $0xFFFFFFFF;
	(pc) =	sbr.abs _section_cstart, $3  }
0xc3: {  	[dreg:$0x1] =	wrdreg $0xFFFFFFFF  }
0xc4: {  	_ =	task.clear_ibuf [dreg:s8], $0x2FFFF;
	_ =	strace $0x9FFFFFFF  }
0xc5: {  	(tm) =	ssettm $0x7FFFFFFF  }
tec
execute0_lowered:
.L_overlay_start_1:
0x0: {  	(tag) =	ssettag $0x1  }
0x1: {  	s0 =	rddreg [dreg:$0x0]  }
0x2: {  	s1 =	rddreg [dreg:$0x1]  }
0x3: {  	s6 =	rddreg [dreg:$0x2]  }
0x4: {  	s2 =	rddreg [dreg:$0x3]  }
0x5: {  	s3 =	simm.s32 $0x0;
	s5 =	srdreg.scid;
	s10 =	stileid.u32  }
0x6: {  	[smem:$0x7FF] =	sst s3;
	s19 =	smul.u32 $0x280, s10  }
0x7: {  	s4 =	sadd.s32 $0xAE00, s0;
	s7 =	sand.u32 $0x1, s5;
	s5 =	sadd.s32 $0x1000, s0  }
0x8: {  	_ =	strace $0x80000047;
	s8 =	smul.u32 $0x28000, s7;
	s22 =	sor.u32 $0x40, s19  }
0x9: {  	s9 =	ssub.s32 $0x2, s7;
	s25 =	sor.u32 $0x60, s19;
	[smem:$0x7F6] =	sst s22  }
0xa: {  	s11 =	sshrl.u32 s9, $0x1;
	s0 =	sadd.s32 s8, s0;
	[dreg:$0x1d] =	wrdreg s25  }
0xb: {  	s20 =	ssub.s32 s9, s11;
	[dreg:$0x15] =	wrdreg s0  }
0xc: {  	v39 =	vlaneseq.u32;
	s24 =	sor.u32 $0x10, s19;
	[dreg:$0x14] =	wrdreg s20  }
0xd: {  	s21 =	sshll.u32 s10, $0x1;
	s22 =	sor.u32 $0x50, s19;
	v1 =	vor.u32 s24, v39;
	s24 =	sld [smem:$0x7F6]  }
0xe: {  	s0 =	sor.u32 s7, s21;
	s21 =	sadd.s32 $0x180, s19;
	v5 =	vor.u32 s22, v39;
	s22 =	rddreg [dreg:$0x1d]  }
0xf: {  	s20 =	sor.u32 $0x20, s19;
	[smem:$0x7F7] =	sst s21;
	s21 =	sadd.s32 $0x190, s19  }
0x10: {  	s23 =	smul.u32 $0x2700, s0;
	[smem:$0x7F8] =	sst s21;
	s21 =	sadd.s32 $0x1A0, s19  }
0x11: {  	s29 =	sshll.u32 s0, $0x7;
	s0 =	sshll.u32 s0, $0x3;
	[smem:$0x7F9] =	sst s21  }
0x12: {  	s11 =	sand.u32 $0x380, s29;
	s29 =	sadd.s32 $0x170, s19;
	v4 =	vor.u32 s24, v39;
	s24 =	rddreg [dreg:$0x14]  }
0x13: {  	s0 =	sor.u32 $0x9C00, s0;
	s21 =	sadd.s32 $0x1B0, s19;
	v23 =	vor.u32 s29, v39;
	s29 =	sld [smem:$0x7F7]  }
0x14: {  	v2 =	vor.u32 s20, v39;
	s20 =	sadd.s32 s4, s0;
	[smem:$0x7FA] =	sst s21  }
0x15: {  	s26 =	sshrl.u32 s10, $0x2;
	s0 =	sadd.s32 s5, s0;
	[dreg:$0xe] =	wrdreg s20  }
0x16: {  	s9 =	smul.u32 $0x14000, s26;
	s8 =	sshrl.u32 s23, $0x3;
	[dreg:$0xf] =	wrdreg s0  }
0x17: {  	s12 =	sadd.s32 s4, s8;
	s20 =	rddreg [dreg:$0x15]  }
0x18: {  	s9 =	sor.u32 s9, s11;
	s30 =	sadd.s32 s5, s8;
	[dreg:$0x5] =	wrdreg s12  }
0x19: {  	s9 =	sshrl.u32 s9, $0x3;
	s21 =	sadd.s32 $0x1C0, s19;
	[dreg:$0x6] =	wrdreg s30  }
0x1a: {  	s14 =	sor.u32 $0x8, s8;
	s6 =	sadd.s32 s6, s9;
	[smem:$0x7FB] =	sst s21  }
0x1b: {  	s13 =	smul.u32 $0x4E00, s10;
	s15 =	sadd.s32 s4, s14;
	[dreg:$0x7] =	wrdreg s6  }
0x1c: {  	s17 =	sor.u32 $0x10, s8;
	s16 =	sadd.s32 s5, s14;
	[dreg:$0x8] =	wrdreg s15  }
0x1d: {  	p1 =	sgt.u32 s10, $0x3;
	s18 =	sadd.s32 s4, s17;
	[dreg:$0x9] =	wrdreg s16  }
0x1e: {  	p0 =	sne.s32 s10, $0x0;
	s21 =	sadd.s32 $0x1D0, s19;
	[dreg:$0xa] =	wrdreg s18  }
0x1f: {  	s7 =	smul.u32 $0x2700, s7;
	s0 =	sadd.s32 $0x14C00, s20;
	[smem:$0x7FC] =	sst s21  }
0x20: {  	s10 =	sadd.s32 $0xA0, s19;
	s30 =	sadd.s32 $0x160, s19;
	[dreg:$0x10] =	wrdreg s0  }
0x21: {  	s9 =	sadd.s32 s7, s13;
	s6 =	sadd.s32 s5, s17;
	v22 =	vor.u32 s30, v39;
	s30 =	sld [smem:$0x7F8]  }
0x22: {  	s7 =	sadd.s32 $0x80, s19;
	s21 =	sadd.s32 $0x1E0, s19;
	[dreg:$0xb] =	wrdreg s6  }
0x23: {  	s17 =	sadd.s32 $0x110, s19;
	v8 =	vor.u32 s7, v39;
	s7 =	sadd.s32 $0x180, s9;
	[dreg:$0x1e] =	wrdreg s21  }
0x24: {  	v10 =	vor.u32 s10, v39;
	s21 =	sadd.s32 $0x1F0, s19;
	s10 =	sshrl.u32 s7, $0x3;
	s7 =	sld [smem:$0x7F9]  }
0x25: {  	v17 =	vor.u32 s17, v39;
	s17 =	sadd.s32 $0x100, s9;
	[dreg:$0x1f] =	wrdreg s21  }
0x26: {  	s6 =	sor.u32 $0x18, s8;
	s8 =	sadd.s32 $0x90, s19;
	[dreg:$0x12] =	wrdreg s17  }
0x27: {  	s12 =	sadd.s32 $0xC0, s19;
	v9 =	vor.u32 s8, v39;
	s8 =	sld [smem:$0x7FA]  }
0x28: {  	v12 =	vor.u32 s12, v39;
	s21 =	sadd.s32 $0x200, s19;
	s12 =	rddreg [dreg:$0x1e]  }
0x29: {  	s13 =	sadd.s32 $0xD0, s19;
	[smem:$0x7FD] =	sst s21  }
0x2a: {  	v13 =	vor.u32 s13, v39;
	s21 =	sadd.s32 $0x210, s19;
	s13 =	rddreg [dreg:$0x1f]  }
0x2b: {  	[dreg:$0x1a] =	wrdreg s21;
	s21 =	sadd.s32 $0x220, s19  }
0x2c: {  	s28 =	sor.u32 $0x30, s19;
	s15 =	sadd.s32 $0xF0, s19;
	[dreg:$0x1b] =	wrdreg s21  }
0x2d: {  	s31 =	sadd.s32 $0x150, s19;
	v15 =	vor.u32 s15, v39;
	s21 =	sadd.s32 $0x230, s19;
	s15 =	rddreg [dreg:$0x1a]  }
0x2e: {  	s25 =	sadd.s32 $0x130, s19;
	s16 =	sadd.s32 $0x100, s19;
	[dreg:$0x1c] =	wrdreg s21  }
0x2f: {  	s26 =	sadd.s32 $0x140, s19;
	v16 =	vor.u32 s16, v39;
	s21 =	sadd.s32 $0x240, s19;
	s16 =	rddreg [dreg:$0x1b]  }
0x30: {  	v3 =	vor.u32 s28, v39;
	s28 =	simm.s32 $0x400;
	v21 =	vor.u32 s31, v39;
	s31 =	simm.s32 $0x180;
	[dreg:$0x17] =	wrdreg s21  }
0x31: {  	v20 =	vor.u32 s26, v39;
	s26 =	simm.s32 $0x40;
	s21 =	sadd.s32 $0x250, s19;
	s17 =	rddreg [dreg:$0x1c]  }
0x32: {  	s23 =	sor.u32 $0x70, s19;
	s18 =	sadd.s32 $0x120, s19;
	[dreg:$0x18] =	wrdreg s21  }
0x33: {  	s11 =	sadd.s32 $0xB0, s19;
	v18 =	vor.u32 s18, v39;
	s21 =	sadd.s32 $0x260, s19;
	s18 =	rddreg [dreg:$0x17]  }
0x34: {  	v11 =	vor.u32 s11, v39;
	s14 =	sadd.s32 $0xE0, s19;
	s11 =	sadd.s32 $0x140, s9;
	[dreg:$0x19] =	wrdreg s21  }
0x35: {  	v19 =	vor.u32 s25, v39;
	s0 =	simm.s32 $0x1;
	s21 =	sadd.s32 $0x270, s19;
	s25 =	rddreg [dreg:$0x18]  }
0x36: {  	v14 =	vor.u32 s14, v39;
	s14 =	sshrl.u32 s11, $0x3;
	s11 =	simm.s32 $0x80;
	[dreg:$0x16] =	wrdreg s21  }
0x37: {  	v6 =	vor.u32 s22, v39;
	v24 =	vor.u32 s29, v39;
	s22 =	sadd.s32 s10, s4;
	s21 =	sadd.s32 s4, s6;
	s29 =	rddreg [dreg:$0x19]  }
0x38: {  	v7 =	vor.u32 s23, v39;
	s23 =	sadd.s32 s14, s5;
	s6 =	sadd.s32 s5, s6;
	[dreg:$0xc] =	wrdreg s21  }
0x39: {  	[dreg:$0xd] =	wrdreg s6;
	s21 =	sadd.s32 $0x1C0, s9;
	s6 =	smax.u32 s24, $0x1  }
0x3a: {  	v40 =	vimm.f32 $0.0e+00;
	v41 =	vimm.f32 $1.000000000e+00;
	v0 =	vor.u32 s19, v39;
	s24 =	sadd.s32 s14, s4;
	s9 =	sld [smem:$0x7FB];
	s21 =	sshrl.u32 s21, $0x3  }
.Ltmp0:
0x3b: {  	v25 =	vor.u32 s30, v39;
	v30 =	vor.u32 s12, v39;
	v26 =	vor.u32 s7, v39;
	s14 =	sld [smem:$0x7FD];
	s19 =	sadd.s32 s21, s5;
	(pc) =	sbr.rel .LBB2_1-.Ltmp0, $4  }
0x3c: {  	v31 =	vor.u32 s13, v39;
	v27 =	vor.u32 s8, v39;
	v33 =	vor.u32 s15, v39;
	s20 =	sadd.s32 s21, s4;
	s21 =	sadd.s32 s10, s5;
	s10 =	sld [smem:$0x7FC]  }
0x3d: {  	s8 =	simm.s32 $0x0;
	s15 =	simm.s32 $0x6400;
	v34 =	vor.u32 s16, v39;
	v35 =	vor.u32 s17, v39;
	v36 =	vor.u32 s18, v39;
	s30 =	rddreg [dreg:$0x16]  }
0x3e: {  	s16 =	simm.s32 $0x8400;
	s17 =	simm.s32 $0x9;
	v37 =	vor.u32 s25, v39;
	v38 =	vor.u32 s29, v39;
	[dreg:$0x11] =	wrdreg s6;
	v28 =	vor.u32 s9, v39  }
0x3f: {  	s9 =	simm.s32 $0x200;
	v32 =	vor.u32 s14, v39;
	s14 =	simm.s32 $0x8;
	v29 =	vor.u32 s10, v39;
	s10 =	simm.s32 $0x380;
	v39 =	vor.u32 s30, v39  }
.LBB2_8:
0x40: {  	s6 =	simm.s32 @!p1 $0x0;
	s7 =	rddreg [dreg:$0xe]  }
0x41: {  	[tilespmem:s6], [sflag:$0xA] =	stream.linear.gather @!p1 [hbm4b:s7+s6], $0x40, $0x38;
	[tilespmem:$0x1EC00] =	vst v63  }
0x42: {  	s7 =	simm.s32 @!p1 $0xA  }
0x43: {  	_ =	swait.ge @!p1 [sflag:s7], $0x40  }
0x44: {  	[sflag:s7] =	ssyncset.done @!p1 $0x0  }
0x45: {  	s8 =	simm.s32 @!p1 $0x200;
	s11 =	rddreg [dreg:$0xf];
	[sflag:s7] =	ssyncadd.s32 @!p1 $0xFFFFFFC0  }
0x46: {  	[tilespmem:s8], [sflag:$0xA] =	stream.linear.gather @!p1 [hbm4b:s11+s6], $0x40, $0x38;
	[tilespmem:$0x1EC00] =	vst v63  }
0x47: {  	_ =	swait.ge @!p1 [sflag:s7], $0x40  }
0x48: {  	[sflag:s7] =	ssyncset.done @!p1 $0x0  }
0x49: {  	s11 =	simm.s32 @!p1 $0x400;
	[sflag:s7] =	ssyncadd.s32 @!p1 $0xFFFFFFC0;
	s7 =	simm.s32 @!p1 $0x40  }
0x4a: {  	[tilespmem:s11], [sflag:$0x1] =	stream.indirect.gather @!p1 [hbm4b:s1+s7], $0x80, s6, s7, $0xb8;
	[tilespmem:$0x1EC00] =	vst v63  }
0x4b: {  	s6 =	simm.s32 @!p1 $0x1  }
0x4c: {  	_ =	swait.ge @!p1 [sflag:s6], $0x2000  }
0x4d: {  	[sflag:s6] =	ssyncset.done @!p1 $0x0  }
0x4e: {  	[sflag:s6] =	ssyncadd.s32 @!p1 $0xFFFFE000  }
0x4f: {  	[spmem:s2] =	stream.indirect.scatter.add.f32 @!p1 [tilespmem:s11], [sflag:$0x9], $0x80, s8, s7, $0xb8;
	[tilespmem:$0x1EC00] =	vst v63  }
0x50: {  	v42 =	vld @!p1 [tilespmem:$0x200];
	_ =	sdelay $0x6  }
0x51: {  	v43 =	vimm.f32 @!p1 $1.000000000e+00;
	s6 =	simm.s32 @!p1 $0x8400  }
0x52: {  	[tilespmem:v42+s6+$0x0] =	vst.idx.add.f32.msk @!p1 $0xffff, v43  }
0x53: {  	v42 =	vld @!p1 [tilespmem:$0x210];
	_ =	sdelay $0x7  }
0x54: {  	[tilespmem:v42+s6+$0x0] =	vst.idx.add.f32.msk @!p1 $0xffff, v43  }
0x55: {  	v42 =	vld @!p1 [tilespmem:$0x220];
	_ =	sdelay $0x7  }
0x56: {  	[tilespmem:v42+s6+$0x0] =	vst.idx.add.f32.msk @!p1 $0xffff, v43  }
0x57: {  	v42 =	vld @!p1 [tilespmem:$0x230];
	_ =	sdelay $0x7  }
0x58: {  	[tilespmem:v42+s6+$0x0] =	vst.idx.add.f32.msk @!p1 $0xffff, v43;
	s6 =	simm.s32 @!p1 $0x9  }
0x59: {  	_ =	swait.ge @!p1 [sflag:s6], $0x2000  }
0x5a: {  	[sflag:s6] =	ssyncset.done @!p1 $0x0  }
0x5b: {  	[sflag:s6] =	ssyncadd.s32 @!p1 $0xFFFFE000  }
0x5c: {  	[bflag:$0x0] =	sbarrier.arrive $0xFFFF  }
0x5d: {  	s25 =	simm.s32 $0xA;
	s11 =	simm.s32 $0x80;
	s18 =	rddreg [dreg:$0x7]  }
0x5e: {  	[hbm4b:s18+s11] =	stream.strided.scatter [tilespmem:s16], [sflag:$0xA], $0x2800, s28, s11, $0x38;
	[tilespmem:$0x1EC00] =	vst v63  }
0x5f: {  	_ =	swait.ge [sflag:s25], $0x2800  }
0x60: {  	s7 =	simm.s32 @!p0 $0x1C0A;
	[sflag:s25] =	ssyncset.done $0x0  }
0x61: {  	s6 =	sshrl.u32 @!p0 s2, $0x3;
	s8 =	rddreg [dreg:$0x10];
	[sflag:s25] =	ssyncadd.s32 $0xFFFFD800  }
0x62: {  	[hbm:s8], [sflag:s7] =	dma.local @!p0 [spmem:s6], $0x28000  }
0x63: {  	s6 =	simm.s32 @!p0 $0xA  }
0x64: {  	_ =	swait.ge @!p0 [sflag:s6], $0x28000  }
0x65: {  	s29 =	rddreg [dreg:$0x13]  }
0x66: {  	s30 =	rddreg [dreg:$0x11];
	s8 =	sadd.s32 $0x1, s29  }
0x67: {  	p2 =	sne.s32 s8, s30  }
.Ltmp1:
0x68: {  	_ = 	snop;
	(pc) =	sbr.rel @!p2 .LBB2_9-.Ltmp1, $3  }
0x69: {  	_ =	sdelay $0x1  }
0x6a: {  	[sflag:s6] =	ssyncset.done @!p0 $0x0  }
0x6b: {  	[sflag:s6] =	ssyncadd.s32 @!p0 $0xFFFD8000  }
.LBB2_1:
0x6c: {  	[dreg:$0x13] =	wrdreg s8;
	s7 =	simm.s32 $0x0;
	s8 =	simm.s32 $0x200  }
.LBB2_2:
0x6d: {  	p2 =	sne.s32 s8, $0x7E00;
	[tilespmem:s7+$0x470] =	vst v40  }
0x6e: {  	[tilespmem:s7+$0x400] =	vst v40  }
0x6f: {  	[tilespmem:s7+$0x410] =	vst v40  }
.Ltmp2:
0x70: {  	[tilespmem:s7+$0x420] =	vst v40;
	(pc) =	sbr.rel @p2 .LBB2_2-.Ltmp2, $4  }
0x71: {  	[tilespmem:s7+$0x430] =	vst v40  }
0x72: {  	[tilespmem:s7+$0x440] =	vst v40  }
0x73: {  	[tilespmem:s7+$0x450] =	vst v40  }
0x74: {  	[tilespmem:s7+$0x460] =	vst v40;
	s7 =	sshra.s32 s8, $0x2;
	s8 =	sadd.s32 $0x200, s8  }
0x75: {  	[tilespmem:s7+$0x470] =	vst v40  }
0x76: {  	[tilespmem:s7+$0x400] =	vst v40  }
0x77: {  	[tilespmem:s7+$0x410] =	vst v40  }
0x78: {  	[tilespmem:s7+$0x420] =	vst v40  }
0x79: {  	[tilespmem:s7+$0x430] =	vst v40  }
0x7a: {  	[tilespmem:s7+$0x440] =	vst v40  }
0x7b: {  	[tilespmem:s7+$0x450] =	vst v40  }
0x7c: {  	[tilespmem:s7+$0x460] =	vst v40;
	s7 =	simm.s32 $0x0;
	s8 =	simm.s32 $0x200  }
.LBB2_4:
0x7d: {  	p2 =	sne.s32 s8, $0x9E00;
	[tilespmem:s7+$0x8470] =	vst v40  }
0x7e: {  	[tilespmem:s7+$0x8400] =	vst v40  }
0x7f: {  	[tilespmem:s7+$0x8410] =	vst v40  }
.Ltmp3:
0x80: {  	[tilespmem:s7+$0x8420] =	vst v40;
	(pc) =	sbr.rel @p2 .LBB2_4-.Ltmp3, $4  }
0x81: {  	[tilespmem:s7+$0x8430] =	vst v40  }
0x82: {  	[tilespmem:s7+$0x8440] =	vst v40  }
0x83: {  	[tilespmem:s7+$0x8450] =	vst v40  }
0x84: {  	[tilespmem:s7+$0x8460] =	vst v40;
	s7 =	sshra.s32 s8, $0x2;
	s8 =	sadd.s32 $0x200, s8  }
0x85: {  	[tilespmem:s7+$0x8470] =	vst v40  }
0x86: {  	[tilespmem:s7+$0x8400] =	vst v40  }
0x87: {  	[tilespmem:s7+$0x8410] =	vst v40  }
0x88: {  	[tilespmem:s7+$0x8420] =	vst v40  }
0x89: {  	[tilespmem:s7+$0x8430] =	vst v40  }
0x8a: {  	[tilespmem:s7+$0x8440] =	vst v40  }
0x8b: {  	[tilespmem:s7+$0x8450] =	vst v40  }
0x8c: {  	[tilespmem:s7+$0x8460] =	vst v40  }
0x8d: {  	[tilespmem:$0x0] =	vst v0  }
0x8e: {  	[tilespmem:$0x10] =	vst v1  }
0x8f: {  	[tilespmem:$0x20] =	vst v2  }
0x90: {  	s18 =	simm.s32 $0x0;
	[tilespmem:$0x30] =	vst v3  }
0x91: {  	[spmem:s2] =	stream.indirect.scatter [tilespmem:s28], [sflag:$0x1], $0x80, s18, s26, $0xb8;
	[tilespmem:$0x1EC00] =	vst v63  }
0x92: {  	[tilespmem:$0x80] =	vst v4  }
0x93: {  	[tilespmem:$0x90] =	vst v5  }
0x94: {  	[tilespmem:$0xA0] =	vst v6  }
0x95: {  	[tilespmem:$0xB0] =	vst v7  }
0x96: {  	[spmem:s2] =	stream.indirect.scatter [tilespmem:s28], [sflag:$0x2], $0x80, s11, s26, $0xb8;
	[tilespmem:$0x1EC00] =	vst v63  }
0x97: {  	[tilespmem:$0x100] =	vst v8  }
0x98: {  	[tilespmem:$0x110] =	vst v9  }
0x99: {  	[tilespmem:$0x120] =	vst v10  }
0x9a: {  	s7 =	simm.s32 $0x100;
	[tilespmem:$0x130] =	vst v11  }
0x9b: {  	[spmem:s2] =	stream.indirect.scatter [tilespmem:s28], [sflag:$0x3], $0x80, s7, s26, $0xb8;
	[tilespmem:$0x1EC00] =	vst v63  }
0x9c: {  	[tilespmem:$0x180] =	vst v12  }
0x9d: {  	[tilespmem:$0x190] =	vst v13  }
0x9e: {  	[tilespmem:$0x1A0] =	vst v14  }
0x9f: {  	[tilespmem:$0x1B0] =	vst v15  }
0xa0: {  	[spmem:s2] =	stream.indirect.scatter [tilespmem:s28], [sflag:$0x4], $0x80, s31, s26, $0xb8;
	[tilespmem:$0x1EC00] =	vst v63  }
0xa1: {  	_ =	swait.ge [sflag:s0], $0x2000  }
0xa2: {  	[sflag:s0] =	ssyncset.done $0x0  }
0xa3: {  	[sflag:s0] =	ssyncadd.s32 $0xFFFFE000  }
0xa4: {  	[tilespmem:$0x0] =	vst v16  }
0xa5: {  	[tilespmem:$0x10] =	vst v17  }
0xa6: {  	[tilespmem:$0x20] =	vst v18  }
0xa7: {  	s6 =	simm.s32 $0x2;
	[tilespmem:$0x30] =	vst v19  }
0xa8: {  	[spmem:s2] =	stream.indirect.scatter [tilespmem:s28], [sflag:$0x1], $0x80, s18, s26, $0xb8;
	[tilespmem:$0x1EC00] =	vst v63  }
0xa9: {  	_ =	swait.ge [sflag:s6], $0x2000  }
0xaa: {  	[sflag:s6] =	ssyncset.done $0x0  }
0xab: {  	[sflag:s6] =	ssyncadd.s32 $0xFFFFE000  }
0xac: {  	[tilespmem:$0x80] =	vst v20  }
0xad: {  	[tilespmem:$0x90] =	vst v21  }
0xae: {  	[tilespmem:$0xA0] =	vst v22  }
0xaf: {  	s8 =	simm.s32 $0x3;
	[tilespmem:$0xB0] =	vst v23  }
0xb0: {  	[spmem:s2] =	stream.indirect.scatter [tilespmem:s28], [sflag:$0x2], $0x80, s11, s26, $0xb8;
	[tilespmem:$0x1EC00] =	vst v63  }
0xb1: {  	_ =	swait.ge [sflag:s8], $0x2000  }
0xb2: {  	[sflag:s8] =	ssyncset.done $0x0  }
0xb3: {  	[sflag:s8] =	ssyncadd.s32 $0xFFFFE000  }
0xb4: {  	[tilespmem:$0x100] =	vst v24  }
0xb5: {  	[tilespmem:$0x110] =	vst v25  }
0xb6: {  	[tilespmem:$0x120] =	vst v26  }
0xb7: {  	s12 =	simm.s32 $0x4;
	[tilespmem:$0x130] =	vst v27  }
0xb8: {  	[spmem:s2] =	stream.indirect.scatter [tilespmem:s28], [sflag:$0x3], $0x80, s7, s26, $0xb8;
	[tilespmem:$0x1EC00] =	vst v63  }
0xb9: {  	_ =	swait.ge [sflag:s12], $0x2000  }
0xba: {  	[sflag:s12] =	ssyncset.done $0x0  }
0xbb: {  	[sflag:s12] =	ssyncadd.s32 $0xFFFFE000  }
0xbc: {  	[tilespmem:$0x180] =	vst v28  }
0xbd: {  	[tilespmem:$0x190] =	vst v29  }
0xbe: {  	[tilespmem:$0x1A0] =	vst v30  }
0xbf: {  	[tilespmem:$0x1B0] =	vst v31  }
0xc0: {  	[spmem:s2] =	stream.indirect.scatter [tilespmem:s28], [sflag:$0x4], $0x80, s31, s26, $0xb8;
	[tilespmem:$0x1EC00] =	vst v63  }
0xc1: {  	_ =	swait.ge [sflag:s0], $0x2000  }
0xc2: {  	[sflag:s0] =	ssyncset.done $0x0  }
0xc3: {  	[sflag:s0] =	ssyncadd.s32 $0xFFFFE000  }
0xc4: {  	[tilespmem:$0x0] =	vst v32  }
0xc5: {  	[tilespmem:$0x10] =	vst v33  }
0xc6: {  	[tilespmem:$0x20] =	vst v34  }
0xc7: {  	[tilespmem:$0x30] =	vst v35  }
0xc8: {  	[spmem:s2] =	stream.indirect.scatter [tilespmem:s28], [sflag:$0x1], $0x80, s18, s26, $0xb8;
	[tilespmem:$0x1EC00] =	vst v63  }
0xc9: {  	_ =	swait.ge [sflag:s6], $0x2000  }
0xca: {  	[sflag:s6] =	ssyncset.done $0x0  }
0xcb: {  	[sflag:s6] =	ssyncadd.s32 $0xFFFFE000  }
0xcc: {  	[tilespmem:$0x80] =	vst v36  }
0xcd: {  	[tilespmem:$0x90] =	vst v37  }
0xce: {  	[tilespmem:$0xA0] =	vst v38  }
0xcf: {  	[tilespmem:$0xB0] =	vst v39  }
0xd0: {  	[spmem:s2] =	stream.indirect.scatter [tilespmem:s28], [sflag:$0x2], $0x80, s11, s26, $0xb8;
	[tilespmem:$0x1EC00] =	vst v63  }
0xd1: {  	_ =	swait.ge [sflag:s8], $0x2000  }
0xd2: {  	[sflag:s8] =	ssyncset.done $0x0  }
0xd3: {  	[sflag:s8] =	ssyncadd.s32 $0xFFFFE000  }
0xd4: {  	_ =	swait.ge [sflag:s12], $0x2000  }
0xd5: {  	[sflag:s12] =	ssyncset.done $0x0  }
0xd6: {  	[sflag:s12] =	ssyncadd.s32 $0xFFFFE000  }
0xd7: {  	_ =	swait.ge [sflag:s0], $0x2000  }
0xd8: {  	[sflag:s0] =	ssyncset.done $0x0  }
0xd9: {  	[sflag:s0] =	ssyncadd.s32 $0xFFFFE000  }
0xda: {  	_ =	swait.ge [sflag:s6], $0x2000  }
0xdb: {  	[sflag:s6] =	ssyncset.done $0x0  }
0xdc: {  	[sflag:s6] =	ssyncadd.s32 $0xFFFFE000  }
0xdd: {  	[bflag:$0x0] =	sbarrier.arrive $0xFFFF  }
0xde: {  	s8 =	rddreg [dreg:$0x5]  }
0xdf: {  	[tilespmem:s18], [sflag:$0x5] =	stream.linear.gather [hbm4b:s8+s18], $0x40, $0x38;
	[tilespmem:$0x1EC00] =	vst v63  }
0xe0: {  	s12 =	rddreg [dreg:$0x6]  }
0xe1: {  	[tilespmem:s9], [sflag:$0x5] =	stream.linear.gather [hbm4b:s12+s18], $0x40, $0x38;
	[tilespmem:$0x1EC00] =	vst v63  }
0xe2: {  	s13 =	rddreg [dreg:$0x8]  }
0xe3: {  	[tilespmem:s11], [sflag:$0x6] =	stream.linear.gather [hbm4b:s13+s18], $0x40, $0x38;
	[tilespmem:$0x1EC00] =	vst v63  }
0xe4: {  	s29 =	simm.s32 $0x280;
	s25 =	rddreg [dreg:$0x9]  }
0xe5: {  	[tilespmem:s29], [sflag:$0x6] =	stream.linear.gather [hbm4b:s25+s18], $0x40, $0x38;
	[tilespmem:$0x1EC00] =	vst v63  }
0xe6: {  	s8 =	rddreg [dreg:$0xa]  }
0xe7: {  	[tilespmem:s7], [sflag:$0x7] =	stream.linear.gather [hbm4b:s8+s18], $0x40, $0x38;
	[tilespmem:$0x1EC00] =	vst v63  }
0xe8: {  	s12 =	rddreg [dreg:$0xb];
	s13 =	simm.s32 $0x300  }
0xe9: {  	[tilespmem:s13], [sflag:$0x7] =	stream.linear.gather [hbm4b:s12+s18], $0x40, $0x38;
	[tilespmem:$0x1EC00] =	vst v63  }
0xea: {  	s25 =	rddreg [dreg:$0xc]  }
0xeb: {  	[tilespmem:s31], [sflag:$0x8] =	stream.linear.gather [hbm4b:s25+s18], $0x40, $0x38;
	[tilespmem:$0x1EC00] =	vst v63  }
0xec: {  	s29 =	rddreg [dreg:$0xd];
	s8 =	simm.s32 $0x5  }
0xed: {  	[tilespmem:s10], [sflag:$0x8] =	stream.linear.gather [hbm4b:s29+s18], $0x40, $0x38;
	[tilespmem:$0x1EC00] =	vst v63  }
0xee: {  	_ =	swait.ge [sflag:s8], $0x40  }
0xef: {  	[sflag:s8] =	ssyncset.done $0x0  }
0xf0: {  	[sflag:s8] =	ssyncadd.s32 $0xFFFFFFC0  }
0xf1: {  	_ =	swait.ge [sflag:s8], $0x40  }
0xf2: {  	[sflag:s8] =	ssyncset.done $0x0  }
0xf3: {  	s12 =	simm.s32 $0x6;
	[sflag:s8] =	ssyncadd.s32 $0xFFFFFFC0  }
0xf4: {  	[tilespmem:s28], [sflag:$0x1] =	stream.indirect.gather [hbm4b:s1+s26], $0x80, s18, s26, $0xb8;
	[tilespmem:$0x1EC00] =	vst v63  }
0xf5: {  	_ =	swait.ge [sflag:s12], $0x40  }
0xf6: {  	[sflag:s12] =	ssyncset.done $0x0  }
0xf7: {  	[sflag:s12] =	ssyncadd.s32 $0xFFFFFFC0  }
0xf8: {  	_ =	swait.ge [sflag:s12], $0x40  }
0xf9: {  	[sflag:s12] =	ssyncset.done $0x0  }
0xfa: {  	s13 =	simm.s32 $0x2400;
	s25 =	simm.s32 $0x7;
	[sflag:s12] =	ssyncadd.s32 $0xFFFFFFC0  }
0xfb: {  	[tilespmem:s13], [sflag:$0x2] =	stream.indirect.gather [hbm4b:s1+s26], $0x80, s11, s26, $0xb8;
	[tilespmem:$0x1EC00] =	vst v63  }
0xfc: {  	_ =	swait.ge [sflag:s25], $0x40  }
0xfd: {  	[sflag:s25] =	ssyncset.done $0x0  }
0xfe: {  	[sflag:s25] =	ssyncadd.s32 $0xFFFFFFC0  }
0xff: {  	_ =	swait.ge [sflag:s25], $0x40  }
0x100: {  	[sflag:s25] =	ssyncset.done $0x0  }
0x101: {  	s29 =	simm.s32 $0x4400;
	s30 =	rddreg [dreg:$0x12];
	[sflag:s25] =	ssyncadd.s32 $0xFFFFFFC0  }
0x102: {  	[tilespmem:s29], [sflag:$0x3] =	stream.indirect.gather [hbm4b:s1+s26], $0x80, s7, s26, $0xb8;
	[tilespmem:$0x1EC00] =	vst v63  }
.LBB2_6:
0x103: {  	_ =	swait.ge [sflag:s0], $0x2000  }
0x104: {  	[sflag:s0] =	ssyncset.done $0x0  }
0x105: {  	[sflag:s0] =	ssyncadd.s32 $0xFFFFE000  }
0x106: {  	[spmem:s2] =	stream.indirect.scatter.add.f32 [tilespmem:s28], [sflag:$0x9], $0x80, s9, s26, $0xb8;
	[tilespmem:$0x1EC00] =	vst v63  }
0x107: {  	_ =	swait.ge [sflag:s14], $0x40  }
0x108: {  	[sflag:s14] =	ssyncset.done $0x0  }
0x109: {  	[sflag:s14] =	ssyncadd.s32 $0xFFFFFFC0  }
0x10a: {  	_ =	swait.ge [sflag:s14], $0x40  }
0x10b: {  	[sflag:s14] =	ssyncset.done $0x0  }
0x10c: {  	[sflag:s14] =	ssyncadd.s32 $0xFFFFFFC0  }
0x10d: {  	[tilespmem:s15], [sflag:$0x4] =	stream.indirect.gather [hbm4b:s1+s26], $0x80, s31, s26, $0xb8;
	[tilespmem:$0x1EC00] =	vst v63  }
0x10e: {  	v42 =	vld [tilespmem:$0x200];
	_ =	sdelay $0x7  }
0x10f: {  	[tilespmem:v42+s16+$0x0] =	vst.idx.add.f32.msk $0xffff, v41  }
0x110: {  	v42 =	vld [tilespmem:$0x210];
	_ =	sdelay $0x7  }
0x111: {  	[tilespmem:v42+s16+$0x0] =	vst.idx.add.f32.msk $0xffff, v41  }
0x112: {  	v42 =	vld [tilespmem:$0x220];
	_ =	sdelay $0x7  }
0x113: {  	[tilespmem:v42+s16+$0x0] =	vst.idx.add.f32.msk $0xffff, v41  }
0x114: {  	v42 =	vld [tilespmem:$0x230];
	_ =	sdelay $0x7  }
0x115: {  	[tilespmem:v42+s16+$0x0] =	vst.idx.add.f32.msk $0xffff, v41  }
0x116: {  	_ =	swait.ge [sflag:s17], $0x2000  }
0x117: {  	p2 =	seq.s32 s18, $0x4C0;
	[sflag:s17] =	ssyncset.done $0x0  }
0x118: {  	s7 =	simm.s32 @p2 $0x2;
	[sflag:s17] =	ssyncadd.s32 $0xFFFFE000  }
0x119: {  	_ =	swait.ge @p2 [sflag:s7], $0x2000  }
0x11a: {  	s8 =	simm.s32 @p2 $0x280;
	[sflag:s7] =	ssyncset.done @p2 $0x0  }
0x11b: {  	s29 =	simm.s32 @p2 $0x2400;
	[sflag:s7] =	ssyncadd.s32 @p2 $0xFFFFE000;
	s7 =	simm.s32 @p2 $0x40  }
0x11c: {  	[spmem:s2] =	stream.indirect.scatter.add.f32 @p2 [tilespmem:s29], [sflag:$0x9], $0x80, s8, s7, $0xb8;
	[tilespmem:$0x1EC00] =	vst v63  }
0x11d: {  	s29 =	sshrl.u32 @!p2 s30, $0x3  }
0x11e: {  	s8 =	simm.s32 @!p2 $0x0;
	s11 =	sadd.s32 @!p2 s4, s29  }
0x11f: {  	[tilespmem:s8], [sflag:$0x5] =	stream.linear.gather @!p2 [hbm4b:s11+s8], $0x40, $0x38;
	[tilespmem:$0x1EC00] =	vst v63  }
0x120: {  	s11 =	sadd.s32 @!p2 s5, s29;
	s29 =	simm.s32 @!p2 $0x200  }
0x121: {  	[tilespmem:s29], [sflag:$0x5] =	stream.linear.gather @!p2 [hbm4b:s11+s8], $0x40, $0x38;
	[tilespmem:$0x1EC00] =	vst v63  }
0x122: {  	s11 =	simm.s32 @!p2 $0x2  }
0x123: {  	_ =	swait.ge @!p2 [sflag:s11], $0x2000  }
0x124: {  	s12 =	simm.s32 @!p2 $0x2400;
	s13 =	simm.s32 @!p2 $0x5;
	[sflag:s11] =	ssyncset.done @!p2 $0x0  }
0x125: {  	s29 =	simm.s32 @!p2 $0x40;
	[sflag:s11] =	ssyncadd.s32 @!p2 $0xFFFFE000;
	s11 =	simm.s32 @!p2 $0x280  }
0x126: {  	[spmem:s2] =	stream.indirect.scatter.add.f32 @!p2 [tilespmem:s12], [sflag:$0x9], $0x80, s11, s29, $0xb8;
	[tilespmem:$0x1EC00] =	vst v63  }
0x127: {  	_ =	swait.ge @!p2 [sflag:s13], $0x40  }
0x128: {  	[sflag:s13] =	ssyncset.done @!p2 $0x0  }
0x129: {  	[sflag:s13] =	ssyncadd.s32 @!p2 $0xFFFFFFC0  }
0x12a: {  	_ =	swait.ge @!p2 [sflag:s13], $0x40  }
0x12b: {  	[sflag:s13] =	ssyncset.done @!p2 $0x0  }
0x12c: {  	[sflag:s13] =	ssyncadd.s32 @!p2 $0xFFFFFFC0;
	s13 =	simm.s32 @!p2 $0x400  }
0x12d: {  	[tilespmem:s13], [sflag:$0x1] =	stream.indirect.gather @!p2 [hbm4b:s1+s29], $0x80, s8, s29, $0xb8;
	[tilespmem:$0x1EC00] =	vst v63  }
0x12e: {  	v61 =	vld [tilespmem:$0x280];
	_ =	sdelay $0x7  }
0x12f: {  	[tilespmem:v61+s16+$0x0] =	vst.idx.add.f32.msk $0xffff, v41  }
0x130: {  	v42 =	vld [tilespmem:$0x290];
	_ =	sdelay $0x7  }
0x131: {  	[tilespmem:v42+s16+$0x0] =	vst.idx.add.f32.msk $0xffff, v41  }
0x132: {  	v42 =	vld [tilespmem:$0x2A0];
	_ =	sdelay $0x7  }
0x133: {  	[tilespmem:v42+s16+$0x0] =	vst.idx.add.f32.msk $0xffff, v41  }
0x134: {  	v42 =	vld [tilespmem:$0x2B0];
	_ =	sdelay $0x7  }
0x135: {  	[tilespmem:v42+s16+$0x0] =	vst.idx.add.f32.msk $0xffff, v41  }
0x136: {  	_ =	swait.ge [sflag:s17], $0x2000  }
0x137: {  	[sflag:s17] =	ssyncset.done $0x0  }
0x138: {  	s13 =	simm.s32 @p2 $0x3;
	[sflag:s17] =	ssyncadd.s32 $0xFFFFE000  }
0x139: {  	_ =	swait.ge @p2 [sflag:s13], $0x2000  }
0x13a: {  	[sflag:s13] =	ssyncset.done @p2 $0x0  }
0x13b: {  	s6 =	simm.s32 @p2 $0x4400;
	[sflag:s13] =	ssyncadd.s32 @p2 $0xFFFFE000;
	s13 =	simm.s32 @p2 $0x300  }
0x13c: {  	[spmem:s2] =	stream.indirect.scatter.add.f32 @p2 [tilespmem:s6], [sflag:$0x9], $0x80, s13, s7, $0xb8;
	[tilespmem:$0x1EC00] =	vst v63  }
0x13d: {  	s6 =	sadd.s32 @!p2 s18, s24;
	s13 =	simm.s32 @!p2 $0x80  }
0x13e: {  	[tilespmem:s13], [sflag:$0x6] =	stream.linear.gather @!p2 [hbm4b:s6+s8], $0x40, $0x38;
	[tilespmem:$0x1EC00] =	vst v63  }
0x13f: {  	s6 =	sadd.s32 @!p2 s18, s23  }
0x140: {  	[tilespmem:s11], [sflag:$0x6] =	stream.linear.gather @!p2 [hbm4b:s6+s8], $0x40, $0x38;
	[tilespmem:$0x1EC00] =	vst v63  }
0x141: {  	s6 =	simm.s32 @!p2 $0x3  }
0x142: {  	_ =	swait.ge @!p2 [sflag:s6], $0x2000  }
0x143: {  	s25 =	simm.s32 @!p2 $0x6;
	[sflag:s6] =	ssyncset.done @!p2 $0x0  }
0x144: {  	s11 =	simm.s32 @!p2 $0x4400;
	[sflag:s6] =	ssyncadd.s32 @!p2 $0xFFFFE000;
	s6 =	simm.s32 @!p2 $0x300  }
0x145: {  	[spmem:s2] =	stream.indirect.scatter.add.f32 @!p2 [tilespmem:s11], [sflag:$0x9], $0x80, s6, s29, $0xb8;
	[tilespmem:$0x1EC00] =	vst v63  }
0x146: {  	_ =	swait.ge @!p2 [sflag:s25], $0x40  }
0x147: {  	[sflag:s25] =	ssyncset.done @!p2 $0x0  }
0x148: {  	[sflag:s25] =	ssyncadd.s32 @!p2 $0xFFFFFFC0  }
0x149: {  	_ =	swait.ge @!p2 [sflag:s25], $0x40  }
0x14a: {  	[sflag:s25] =	ssyncset.done @!p2 $0x0  }
0x14b: {  	[sflag:s25] =	ssyncadd.s32 @!p2 $0xFFFFFFC0  }
0x14c: {  	[tilespmem:s12], [sflag:$0x2] =	stream.indirect.gather @!p2 [hbm4b:s1+s29], $0x80, s13, s29, $0xb8;
	[tilespmem:$0x1EC00] =	vst v63  }
0x14d: {  	v62 =	vld [tilespmem:$0x300];
	_ =	sdelay $0x7  }
0x14e: {  	[tilespmem:v62+s16+$0x0] =	vst.idx.add.f32.msk $0xffff, v41  }
0x14f: {  	v42 =	vld [tilespmem:$0x310];
	_ =	sdelay $0x7  }
0x150: {  	[tilespmem:v42+s16+$0x0] =	vst.idx.add.f32.msk $0xffff, v41  }
0x151: {  	v42 =	vld [tilespmem:$0x320];
	_ =	sdelay $0x7  }
0x152: {  	[tilespmem:v42+s16+$0x0] =	vst.idx.add.f32.msk $0xffff, v41  }
0x153: {  	v42 =	vld [tilespmem:$0x330];
	_ =	sdelay $0x7  }
0x154: {  	[tilespmem:v42+s16+$0x0] =	vst.idx.add.f32.msk $0xffff, v41  }
0x155: {  	_ =	swait.ge [sflag:s17], $0x2000  }
0x156: {  	[sflag:s17] =	ssyncset.done $0x0  }
0x157: {  	s12 =	simm.s32 @p2 $0x4;
	[sflag:s17] =	ssyncadd.s32 $0xFFFFE000  }
0x158: {  	_ =	swait.ge @p2 [sflag:s12], $0x2000  }
0x159: {  	[sflag:s12] =	ssyncset.done @p2 $0x0  }
0x15a: {  	s13 =	simm.s32 @p2 $0x6400;
	[sflag:s12] =	ssyncadd.s32 @p2 $0xFFFFE000;
	s12 =	simm.s32 @p2 $0x380  }
0x15b: {  	[spmem:s2] =	stream.indirect.scatter.add.f32 @p2 [tilespmem:s13], [sflag:$0x9], $0x80, s12, s7, $0xb8;
	[tilespmem:$0x1EC00] =	vst v63  }
0x15c: {  	s7 =	sadd.s32 @!p2 s18, s22;
	s12 =	simm.s32 @!p2 $0x100  }
0x15d: {  	[tilespmem:s12], [sflag:$0x7] =	stream.linear.gather @!p2 [hbm4b:s7+s8], $0x40, $0x38;
	[tilespmem:$0x1EC00] =	vst v63  }
0x15e: {  	s7 =	sadd.s32 @!p2 s18, s21  }
0x15f: {  	[tilespmem:s6], [sflag:$0x7] =	stream.linear.gather @!p2 [hbm4b:s7+s8], $0x40, $0x38;
	[tilespmem:$0x1EC00] =	vst v63  }
0x160: {  	s6 =	simm.s32 @!p2 $0x4  }
0x161: {  	_ =	swait.ge @!p2 [sflag:s6], $0x2000  }
0x162: {  	[sflag:s6] =	ssyncset.done @!p2 $0x0  }
0x163: {  	s7 =	simm.s32 @!p2 $0x6400;
	[sflag:s6] =	ssyncadd.s32 @!p2 $0xFFFFE000;
	s6 =	simm.s32 @!p2 $0x380  }
0x164: {  	[spmem:s2] =	stream.indirect.scatter.add.f32 @!p2 [tilespmem:s7], [sflag:$0x9], $0x80, s6, s29, $0xb8;
	[tilespmem:$0x1EC00] =	vst v63  }
0x165: {  	s6 =	simm.s32 @!p2 $0x7  }
0x166: {  	_ =	swait.ge @!p2 [sflag:s6], $0x40  }
0x167: {  	[sflag:s6] =	ssyncset.done @!p2 $0x0  }
0x168: {  	[sflag:s6] =	ssyncadd.s32 @!p2 $0xFFFFFFC0  }
0x169: {  	_ =	swait.ge @!p2 [sflag:s6], $0x40  }
0x16a: {  	[sflag:s6] =	ssyncset.done @!p2 $0x0  }
0x16b: {  	[sflag:s6] =	ssyncadd.s32 @!p2 $0xFFFFFFC0  }
0x16c: {  	[tilespmem:s11], [sflag:$0x3] =	stream.indirect.gather @!p2 [hbm4b:s1+s29], $0x80, s12, s29, $0xb8;
	[tilespmem:$0x1EC00] =	vst v63  }
0x16d: {  	v63 =	vld [tilespmem:$0x380];
	_ =	sdelay $0x7  }
0x16e: {  	[tilespmem:v63+s16+$0x0] =	vst.idx.add.f32.msk $0xffff, v41  }
0x16f: {  	v42 =	vld [tilespmem:$0x390];
	_ =	sdelay $0x7  }
0x170: {  	[tilespmem:v42+s16+$0x0] =	vst.idx.add.f32.msk $0xffff, v41  }
0x171: {  	v42 =	vld [tilespmem:$0x3A0];
	_ =	sdelay $0x7  }
0x172: {  	[tilespmem:v42+s16+$0x0] =	vst.idx.add.f32.msk $0xffff, v41  }
0x173: {  	v42 =	vld [tilespmem:$0x3B0];
	_ =	sdelay $0x6  }
.Ltmp4:
0x174: {  	_ = 	snop;
	(pc) =	sbr.rel @p2 .LBB2_8-.Ltmp4, $4  }
0x175: {  	[tilespmem:v42+s16+$0x0] =	vst.idx.add.f32.msk $0xffff, v41  }
0x176: {  	_ =	swait.ge [sflag:s17], $0x2000  }
0x177: {  	[sflag:s17] =	ssyncset.done $0x0  }
0x178: {  	[sflag:s17] =	ssyncadd.s32 $0xFFFFE000  }
.Ltmp5:
0x179: {  	(pc) =	sbr.rel .LBB2_6-.Ltmp5, $4  }
0x17a: {  	s6 =	sadd.s32 s18, s20  }
0x17b: {  	[tilespmem:s31], [sflag:$0x8] =	stream.linear.gather [hbm4b:s6+s3], $0x40, $0x38;
	[tilespmem:$0x1EC00] =	vst v63  }
0x17c: {  	s29 =	sadd.s32 s18, s19;
	s18 =	sadd.s32 $0x20, s18;
	s30 =	sadd.s32 $0x100, s30  }
0x17d: {  	[tilespmem:s10], [sflag:$0x8] =	stream.linear.gather [hbm4b:s29+s3], $0x40, $0x38;
	[tilespmem:$0x1EC00] =	vst v63  }
.LBB2_9:
0x17e: {  	_ =	sfence.sel $0x180000  }
0x17f: {  	[bflag:$0x0] =	sbarrier.arrive $0xFFFF  }
0x180: {  	_ =	strace $0x90000047  }
0x181: {  	[bflag:$0x2] =	sbarrier.arrive $0xFFFF  }
0x182: {  	s0 =	rddreg [dreg:$0x4]  }
0x183: {  	s0 =	sadd.s32 @!p0 $0x100000, s0  }
0x184: {  	[sflag:s0] =	ssyncadd.tile.s32 @!p0 $0x1;
	_ =	shalt  }
.Lfunc_end2:
_tile_overlayer_lowered:
.L_overlay_start_2:
0x185: {  	(tag) =	ssettag $0x2  }
0x186: {  	s0 =	rddreg [dreg:$0x0];
	s2 =	stileid.u32  }
0x187: {  	s1 =	rddreg [dreg:$0x1];
	p0 =	sne.s32 s2, $0x0  }
0x188: {  	s3 =	rddreg [dreg:$0x2];
	[bflag:$0x3] =	sbarrier.arrive $0xFFFF;
	s2 =	simm.s32 @!p0 $0x1C0A  }
0x189: {  	[timem:s3], [sflag:s2] =	dma.local @!p0 [hbm:s0], s1  }
0x18a: {  	s0 =	simm.s32 @!p0 $0xA  }
0x18b: {  	_ =	swait.ge @!p0 [sflag:s0], s1  }
0x18c: {  	s1 =	ssub.s32 @!p0 $0x0, s1;
	[sflag:s0] =	ssyncset.done @!p0 $0x0  }
0x18d: {  	[sflag:s0] =	ssyncadd.s32 @!p0 s1  }
0x18e: {  	[bflag:$0x3] =	sbarrier.arrive $0xFFFF  }
0x18f: {  	_ =	shalt  }

</sc_bundles>
